<compile_context>
chip_gen: v7x
topology: tpu7x:2x2x1
jax: 0.10.2.dev20260603
libtpu: 0.0.44.dev20260713+nightly
codegen_flags: <defaults>
</compile_context>

<pallas_src>
import functools

import jax
import jax.numpy as jnp
from jax import lax
from jax.experimental import pallas as pl
from jax.experimental.pallas import tpu as pltpu
from jax.experimental.pallas import tpu_sc as plsc

_CHUNK = 128
_NBUF = 6


@functools.lru_cache(maxsize=None)
def _make_embed_kernel(V, D, bsz, seq_len, idx_dtype):
    info = plsc.get_sparse_core_info()
    NC, NS, L = info.num_cores, info.num_subcores, info.num_lanes
    NW = NC * NS
    B = bsz * seq_len
    assert B % (NW * _CHUNK) == 0 and D % L == 0
    b_per_w = B // NW
    n_chunks = b_per_w // _CHUNK
    assert seq_len % b_per_w == 0
    mesh = plsc.VectorSubcoreMesh(core_axis_name="c", subcore_axis_name="s")

    @functools.partial(
        pl.kernel,
        mesh=mesh,
        out_type=[
            jax.ShapeDtypeStruct((bsz, seq_len, D), jnp.float32),
            jax.ShapeDtypeStruct((bsz, seq_len), idx_dtype),
        ],
        scratch_types=(
            [pltpu.VMEM((b_per_w,), jnp.int32),
             pltpu.VMEM((b_per_w,), jnp.int32)]
            + [pltpu.VMEM((_CHUNK, D), jnp.float32) for _ in range(_NBUF)]
            + [pltpu.SemaphoreType.DMA for _ in range(2 * _NBUF + 1)]
        ),
    )
    def embed_kernel(table_hbm, ids_hbm, out_hbm, pos_hbm,
                     idx_v, pos_v, *bufs_and_sems):
        bufs = bufs_and_sems[:_NBUF]
        gsems = bufs_and_sems[_NBUF:2 * _NBUF]
        wsems = bufs_and_sems[2 * _NBUF:3 * _NBUF]
        isem = bufs_and_sems[3 * _NBUF]
        wid = lax.axis_index("s") * NC + lax.axis_index("c")
        base = wid * b_per_w
        row = base // seq_len
        col = base % seq_len
        pltpu.async_copy(ids_hbm.at[row, pl.ds(col, b_per_w)], idx_v,
                         isem).wait()

        def start_gather(j):
            return pltpu.async_copy(
                table_hbm.at[idx_v.at[pl.ds(j * _CHUNK, _CHUNK)]],
                bufs[j % _NBUF], gsems[j % _NBUF])

        def start_writeback(j):
            return pltpu.async_copy(
                bufs[j % _NBUF],
                out_hbm.at[row, pl.ds(col + j * _CHUNK, _CHUNK)],
                wsems[j % _NBUF])

        gathers = [None] * n_chunks
        writebacks = [None] * n_chunks
        for j in range(min(_NBUF, n_chunks)):
            gathers[j] = start_gather(j)

        for j in range(b_per_w // L):
            pos_v[pl.ds(j * L, L)] = lax.iota(jnp.int32, L) + (col + j * L)
        pltpu.sync_copy(pos_v, pos_hbm.at[row, pl.ds(col, b_per_w)])

        for j in range(n_chunks):
            gathers[j].wait()
            writebacks[j] = start_writeback(j)
            nxt = j - 1 + _NBUF
            if j >= 1 and nxt < n_chunks:
                writebacks[j - 1].wait()
                gathers[nxt] = start_gather(nxt)
        for j in range(max(0, n_chunks - _NBUF), n_chunks):
            writebacks[j].wait()

    return embed_kernel


def kernel(input_ids, embed_table):
    bsz, seq_len = input_ids.shape
    V, D = embed_table.shape
    ids = input_ids.astype(jnp.int32)
    fn = _make_embed_kernel(V, D, bsz, seq_len, jnp.dtype(input_ids.dtype))
    hidden, position_ids = fn(embed_table, ids)
    return (hidden, position_ids)

# --- scband reference (transcript-rebuilt; emitter-appended) ---
"""Pipeline reference for scband-embed-layer-pipe-21887153341054 (READ-ONLY COPY).

The authoritative reference and input builder live on the scoring server;
editing this copy changes nothing except your own understanding.
"""

import jax, jax.numpy as jnp
import numpy as np

VOCAB = 1000000
EMBED_DIM = 128
BATCH = 4
SEQ_LEN = 8192


def setup_inputs(seed: int = 0) -> dict:
    key = jax.random.key(seed)
    k_ids, k_tab = jax.random.split(key)
    input_ids = jax.random.randint(k_ids, (BATCH, SEQ_LEN), 0, VOCAB, dtype=jnp.int64 if jax.config.read('jax_enable_x64') else jnp.int32)
    embed_table = jax.random.normal(k_tab, (VOCAB, EMBED_DIM), dtype=jnp.float32)
    return {"input_ids": input_ids, "embed_table": embed_table}


def reference(input_ids, embed_table):
    # hidden_states = embed_tokens(input_ids)
    hidden_states = jnp.take(embed_table, input_ids, axis=0)
    # position_ids = arange(seq_len).unsqueeze(0).expand_as(input_ids)
    seq_len = input_ids.shape[1]
    position_ids = jnp.arange(seq_len, dtype=input_ids.dtype)
    position_ids = jnp.broadcast_to(position_ids[None, :], input_ids.shape)
    return (hidden_states, position_ids)

if __name__ == "__main__":
    import jax
    _d = setup_inputs()
    print(jax.jit(kernel)(*tuple(_d.values())))

</pallas_src>

<mosaic_0001>
#map = affine_map<(d0, d1) -> (0, 0)>
#map1 = affine_map<(d0, d1) -> (0, 0, 0)>
module attributes {stable_mosaic.version = 14 : i64} {
  func.func @embed_kernel(%arg0: i32, %arg1: i32, %arg2: memref<1000000x128xf32, #tpu.memory_space<hbm>>, %arg3: memref<4x8192xi32, #tpu.memory_space<hbm>>, %arg4: memref<4x8192x128xf32, #tpu.memory_space<hbm>>, %arg5: memref<4x8192xi32, #tpu.memory_space<hbm>>, %arg6: memref<1024xi32, #tpu.memory_space<vmem>>, %arg7: memref<1024xi32, #tpu.memory_space<vmem>>, %arg8: memref<128x128xf32, #tpu.memory_space<vmem>>, %arg9: memref<128x128xf32, #tpu.memory_space<vmem>>, %arg10: memref<128x128xf32, #tpu.memory_space<vmem>>, %arg11: memref<128x128xf32, #tpu.memory_space<vmem>>, %arg12: memref<128x128xf32, #tpu.memory_space<vmem>>, %arg13: memref<128x128xf32, #tpu.memory_space<vmem>>, %arg14: memref<!tpu.dma_semaphore, #tpu.memory_space<semaphore_mem>>, %arg15: memref<!tpu.dma_semaphore, #tpu.memory_space<semaphore_mem>>, %arg16: memref<!tpu.dma_semaphore, #tpu.memory_space<semaphore_mem>>, %arg17: memref<!tpu.dma_semaphore, #tpu.memory_space<semaphore_mem>>, %arg18: memref<!tpu.dma_semaphore, #tpu.memory_space<semaphore_mem>>, %arg19: memref<!tpu.dma_semaphore, #tpu.memory_space<semaphore_mem>>, %arg20: memref<!tpu.dma_semaphore, #tpu.memory_space<semaphore_mem>>, %arg21: memref<!tpu.dma_semaphore, #tpu.memory_space<semaphore_mem>>, %arg22: memref<!tpu.dma_semaphore, #tpu.memory_space<semaphore_mem>>, %arg23: memref<!tpu.dma_semaphore, #tpu.memory_space<semaphore_mem>>, %arg24: memref<!tpu.dma_semaphore, #tpu.memory_space<semaphore_mem>>, %arg25: memref<!tpu.dma_semaphore, #tpu.memory_space<semaphore_mem>>, %arg26: memref<!tpu.dma_semaphore, #tpu.memory_space<semaphore_mem>>) attributes {dimension_semantics = [#tpu.dimension_semantics<core_parallel>, #tpu.dimension_semantics<subcore_parallel>], iteration_bounds = array<i64: 2, 16>, scalar_prefetch = 0 : i64, scratch_operands = 21 : i64, tpu.core_type = #tpu.core_type<sc_vector_subcore>, window_params = [{transform_indices = #map}, {transform_indices = #map}, {transform_indices = #map1}, {transform_indices = #map}]} {
    %mul3A = arith.constant 2 : i32
    %mul3A_0 = arith.muli %arg1, %mul3A : i32
    %add3A = arith.addi %mul3A_0, %arg0 : i32
    %mul3A_1 = arith.constant 1024 : i32
    %mul3A_2 = arith.muli %add3A, %mul3A_1 : i32
    %jit3A = arith.constant 8192 : i32
    %div3A = arith.divsi %mul3A_2, %jit3A : i32
    %sign3A = arith.constant 0 : i32
    %sign3A_3 = arith.cmpi sgt, %mul3A_2, %sign3A : i32
    %sign3A_4 = arith.extui %sign3A_3 : i1 to i32
    %sign3A_5 = arith.constant 0 : i32
    %sign3A_6 = arith.cmpi slt, %mul3A_2, %sign3A_5 : i32
    %sign3A_7 = arith.extui %sign3A_6 : i1 to i32
    %sign3A_8 = arith.subi %sign3A_4, %sign3A_7 : i32
    %sign3A_9 = arith.constant 0 : i32
    %sign3A_10 = arith.cmpi sgt, %jit3A, %sign3A_9 : i32
    %sign3A_11 = arith.extui %sign3A_10 : i1 to i32
    %sign3A_12 = arith.constant 0 : i32
    %sign3A_13 = arith.cmpi slt, %jit3A, %sign3A_12 : i32
    %sign3A_14 = arith.extui %sign3A_13 : i1 to i32
    %sign3A_15 = arith.subi %sign3A_11, %sign3A_14 : i32
    %ne3A = arith.cmpi ne, %sign3A_8, %sign3A_15 : i32
    %rem3A = arith.remsi %mul3A_2, %jit3A : i32
    %ne3A_16 = arith.constant 0 : i32
    %ne3A_17 = arith.cmpi ne, %rem3A, %ne3A_16 : i32
    %and3A = arith.andi %ne3A, %ne3A_17 : i1
    %sub3A = arith.constant 1 : i32
    %sub3A_18 = arith.subi %div3A, %sub3A : i32
    %select_n3A = arith.select %and3A, %sub3A_18, %div3A : i32
    %jit3A_19 = arith.constant 8192 : i32
    %eq3A = arith.constant 0 : i32
    %eq3A_20 = arith.cmpi eq, %jit3A_19, %eq3A : i32
    %jit3A_21 = arith.constant 1 : i32
    %select_n3A_22 = arith.select %eq3A_20, %jit3A_21, %jit3A_19 : i32
    %rem3A_23 = arith.remsi %mul3A_2, %select_n3A_22 : i32
    %ne3A_24 = arith.constant 0 : i32
    %ne3A_25 = arith.cmpi ne, %rem3A_23, %ne3A_24 : i32
    %lt3A = arith.constant 0 : i32
    %lt3A_26 = arith.cmpi slt, %rem3A_23, %lt3A : i32
    %lt3A_27 = arith.constant 0 : i32
    %lt3A_28 = arith.cmpi slt, %select_n3A_22, %lt3A_27 : i32
    %ne3A_29 = arith.xori %lt3A_26, %lt3A_28 : i1
    %and3A_30 = arith.andi %ne3A_29, %ne3A_25 : i1
    %add3A_31 = arith.addi %rem3A_23, %select_n3A_22 : i32
    %select_n3A_32 = arith.select %and3A_30, %add3A_31, %rem3A_23 : i32
    %dma_start3A = tpu.memref_slice %arg3[%select_n3A, %select_n3A_32] : memref<4x8192xi32, #tpu.memory_space<hbm>> -> memref<1x1024xi32, #tpu.memory_space<hbm>>
    %dma_start3A_33 = tpu.memref_squeeze %dma_start3A : memref<1x1024xi32, #tpu.memory_space<hbm>> -> memref<1024xi32, #tpu.memory_space<hbm>>
    %dma_start3A_34 = tpu.memref_slice %arg3[%select_n3A, %select_n3A_32] : memref<4x8192xi32, #tpu.memory_space<hbm>> -> memref<1x1024xi32, #tpu.memory_space<hbm>>
    %dma_start3A_35 = tpu.memref_squeeze %dma_start3A_34 : memref<1x1024xi32, #tpu.memory_space<hbm>> -> memref<1024xi32, #tpu.memory_space<hbm>>
    tpu.enqueue_dma source(%dma_start3A_35 : memref<1024xi32, #tpu.memory_space<hbm>>) target(%arg6 : memref<1024xi32, #tpu.memory_space<vmem>>) target_semaphore(%arg26 : memref<!tpu.dma_semaphore, #tpu.memory_space<semaphore_mem>>)
    %dma_wait3A = tpu.memref_slice %arg3[%select_n3A, %select_n3A_32] : memref<4x8192xi32, #tpu.memory_space<hbm>> -> memref<1x1024xi32, #tpu.memory_space<hbm>>
    %dma_wait3A_36 = tpu.memref_squeeze %dma_wait3A : memref<1x1024xi32, #tpu.memory_space<hbm>> -> memref<1024xi32, #tpu.memory_space<hbm>>
    %dma_wait3A_37 = tpu.memref_slice %arg3[%select_n3A, %select_n3A_32] : memref<4x8192xi32, #tpu.memory_space<hbm>> -> memref<1x1024xi32, #tpu.memory_space<hbm>>
    %dma_wait3A_38 = tpu.memref_squeeze %dma_wait3A_37 : memref<1x1024xi32, #tpu.memory_space<hbm>> -> memref<1024xi32, #tpu.memory_space<hbm>>
    tpu.wait_dma2 semaphore(%arg26 : memref<!tpu.dma_semaphore, #tpu.memory_space<semaphore_mem>>) src(%dma_wait3A_38 : memref<1024xi32, #tpu.memory_space<hbm>>) dst(%arg6 : memref<1024xi32, #tpu.memory_space<vmem>>)
    %dma_start3A_39 = arith.constant 0 : i32
    %dma_start3A_40 = tpu.memref_slice %arg6[%dma_start3A_39] : memref<1024xi32, #tpu.memory_space<vmem>> -> memref<128xi32, #tpu.memory_space<vmem>>
    %dma_start3A_41 = arith.constant 0 : i32
    %dma_start3A_42 = arith.constant 0 : i32
    %dma_start3A_43 = tpu.memref_slice %arg2[%dma_start3A_41, %dma_start3A_42] : memref<1000000x128xf32, #tpu.memory_space<hbm>> -> memref<1000000x128xf32, #tpu.memory_space<hbm>>
    tpu.enqueue_indirect_dma source(%dma_start3A_43 : memref<1000000x128xf32, #tpu.memory_space<hbm>>) target(%arg8 : memref<128x128xf32, #tpu.memory_space<vmem>>) offsets(%dma_start3A_40 : memref<128xi32, #tpu.memory_space<vmem>>) semaphore(%arg14 : memref<!tpu.dma_semaphore, #tpu.memory_space<semaphore_mem>>)
    %dma_start3A_44 = arith.constant 128 : i32
    %dma_start3A_45 = tpu.memref_slice %arg6[%dma_start3A_44] : memref<1024xi32, #tpu.memory_space<vmem>> -> memref<128xi32, #tpu.memory_space<vmem>>
    %dma_start3A_46 = arith.constant 0 : i32
    %dma_start3A_47 = arith.constant 0 : i32
    %dma_start3A_48 = tpu.memref_slice %arg2[%dma_start3A_46, %dma_start3A_47] : memref<1000000x128xf32, #tpu.memory_space<hbm>> -> memref<1000000x128xf32, #tpu.memory_space<hbm>>
    tpu.enqueue_indirect_dma source(%dma_start3A_48 : memref<1000000x128xf32, #tpu.memory_space<hbm>>) target(%arg9 : memref<128x128xf32, #tpu.memory_space<vmem>>) offsets(%dma_start3A_45 : memref<128xi32, #tpu.memory_space<vmem>>) semaphore(%arg15 : memref<!tpu.dma_semaphore, #tpu.memory_space<semaphore_mem>>)
    %dma_start3A_49 = arith.constant 256 : i32
    %dma_start3A_50 = tpu.memref_slice %arg6[%dma_start3A_49] : memref<1024xi32, #tpu.memory_space<vmem>> -> memref<128xi32, #tpu.memory_space<vmem>>
    %dma_start3A_51 = arith.constant 0 : i32
    %dma_start3A_52 = arith.constant 0 : i32
    %dma_start3A_53 = tpu.memref_slice %arg2[%dma_start3A_51, %dma_start3A_52] : memref<1000000x128xf32, #tpu.memory_space<hbm>> -> memref<1000000x128xf32, #tpu.memory_space<hbm>>
    tpu.enqueue_indirect_dma source(%dma_start3A_53 : memref<1000000x128xf32, #tpu.memory_space<hbm>>) target(%arg10 : memref<128x128xf32, #tpu.memory_space<vmem>>) offsets(%dma_start3A_50 : memref<128xi32, #tpu.memory_space<vmem>>) semaphore(%arg16 : memref<!tpu.dma_semaphore, #tpu.memory_space<semaphore_mem>>)
    %dma_start3A_54 = arith.constant 384 : i32
    %dma_start3A_55 = tpu.memref_slice %arg6[%dma_start3A_54] : memref<1024xi32, #tpu.memory_space<vmem>> -> memref<128xi32, #tpu.memory_space<vmem>>
    %dma_start3A_56 = arith.constant 0 : i32
    %dma_start3A_57 = arith.constant 0 : i32
    %dma_start3A_58 = tpu.memref_slice %arg2[%dma_start3A_56, %dma_start3A_57] : memref<1000000x128xf32, #tpu.memory_space<hbm>> -> memref<1000000x128xf32, #tpu.memory_space<hbm>>
    tpu.enqueue_indirect_dma source(%dma_start3A_58 : memref<1000000x128xf32, #tpu.memory_space<hbm>>) target(%arg11 : memref<128x128xf32, #tpu.memory_space<vmem>>) offsets(%dma_start3A_55 : memref<128xi32, #tpu.memory_space<vmem>>) semaphore(%arg17 : memref<!tpu.dma_semaphore, #tpu.memory_space<semaphore_mem>>)
    %dma_start3A_59 = arith.constant 512 : i32
    %dma_start3A_60 = tpu.memref_slice %arg6[%dma_start3A_59] : memref<1024xi32, #tpu.memory_space<vmem>> -> memref<128xi32, #tpu.memory_space<vmem>>
    %dma_start3A_61 = arith.constant 0 : i32
    %dma_start3A_62 = arith.constant 0 : i32
    %dma_start3A_63 = tpu.memref_slice %arg2[%dma_start3A_61, %dma_start3A_62] : memref<1000000x128xf32, #tpu.memory_space<hbm>> -> memref<1000000x128xf32, #tpu.memory_space<hbm>>
    tpu.enqueue_indirect_dma source(%dma_start3A_63 : memref<1000000x128xf32, #tpu.memory_space<hbm>>) target(%arg12 : memref<128x128xf32, #tpu.memory_space<vmem>>) offsets(%dma_start3A_60 : memref<128xi32, #tpu.memory_space<vmem>>) semaphore(%arg18 : memref<!tpu.dma_semaphore, #tpu.memory_space<semaphore_mem>>)
    %dma_start3A_64 = arith.constant 640 : i32
    %dma_start3A_65 = tpu.memref_slice %arg6[%dma_start3A_64] : memref<1024xi32, #tpu.memory_space<vmem>> -> memref<128xi32, #tpu.memory_space<vmem>>
    %dma_start3A_66 = arith.constant 0 : i32
    %dma_start3A_67 = arith.constant 0 : i32
    %dma_start3A_68 = tpu.memref_slice %arg2[%dma_start3A_66, %dma_start3A_67] : memref<1000000x128xf32, #tpu.memory_space<hbm>> -> memref<1000000x128xf32, #tpu.memory_space<hbm>>
    tpu.enqueue_indirect_dma source(%dma_start3A_68 : memref<1000000x128xf32, #tpu.memory_space<hbm>>) target(%arg13 : memref<128x128xf32, #tpu.memory_space<vmem>>) offsets(%dma_start3A_65 : memref<128xi32, #tpu.memory_space<vmem>>) semaphore(%arg19 : memref<!tpu.dma_semaphore, #tpu.memory_space<semaphore_mem>>)
    %iota3A = tpu.iota {dimensions = array<i32: 0>} : vector<16xi32>
    %add3A_69 = arith.constant 0 : i32
    %add3A_70 = arith.addi %select_n3A_32, %add3A_69 : i32
    %add3A_71 = vector.broadcast %add3A_70 : i32 to vector<16xi32>
    %add3A_72 = arith.addi %iota3A, %add3A_71 : vector<16xi32>
    %swap3A = arith.constant 0 : index
    %swap3A_73 = tpu.vector_load %arg7[%swap3A] {strides = array<i32>} : memref<1024xi32, #tpu.memory_space<vmem>>, vector<16xi32>,
    %swap3A_74 = vector.shape_cast %swap3A_73 : vector<16xi32> to vector<16xi32>
    %swap3A_75 = vector.shape_cast %add3A_72 : vector<16xi32> to vector<16xi32>
    tpu.vector_store %arg7[%swap3A], %swap3A_75 {strides = array<i32>} : memref<1024xi32, #tpu.memory_space<vmem>>, vector<16xi32>,
    %iota3A_76 = tpu.iota {dimensions = array<i32: 0>} : vector<16xi32>
    %add3A_77 = arith.constant 16 : i32
    %add3A_78 = arith.addi %select_n3A_32, %add3A_77 : i32
    %add3A_79 = vector.broadcast %add3A_78 : i32 to vector<16xi32>
    %add3A_80 = arith.addi %iota3A_76, %add3A_79 : vector<16xi32>
    %swap3A_81 = arith.constant 16 : index
    %swap3A_82 = tpu.vector_load %arg7[%swap3A_81] {strides = array<i32>} : memref<1024xi32, #tpu.memory_space<vmem>>, vector<16xi32>,
    %swap3A_83 = vector.shape_cast %swap3A_82 : vector<16xi32> to vector<16xi32>
    %swap3A_84 = vector.shape_cast %add3A_80 : vector<16xi32> to vector<16xi32>
    tpu.vector_store %arg7[%swap3A_81], %swap3A_84 {strides = array<i32>} : memref<1024xi32, #tpu.memory_space<vmem>>, vector<16xi32>,
    %iota3A_85 = tpu.iota {dimensions = array<i32: 0>} : vector<16xi32>
    %add3A_86 = arith.constant 32 : i32
    %add3A_87 = arith.addi %select_n3A_32, %add3A_86 : i32
    %add3A_88 = vector.broadcast %add3A_87 : i32 to vector<16xi32>
    %add3A_89 = arith.addi %iota3A_85, %add3A_88 : vector<16xi32>
    %swap3A_90 = arith.constant 32 : index
    %swap3A_91 = tpu.vector_load %arg7[%swap3A_90] {strides = array<i32>} : memref<1024xi32, #tpu.memory_space<vmem>>, vector<16xi32>,
    %swap3A_92 = vector.shape_cast %swap3A_91 : vector<16xi32> to vector<16xi32>
    %swap3A_93 = vector.shape_cast %add3A_89 : vector<16xi32> to vector<16xi32>
    tpu.vector_store %arg7[%swap3A_90], %swap3A_93 {strides = array<i32>} : memref<1024xi32, #tpu.memory_space<vmem>>, vector<16xi32>,
    %iota3A_94 = tpu.iota {dimensions = array<i32: 0>} : vector<16xi32>
    %add3A_95 = arith.constant 48 : i32
    %add3A_96 = arith.addi %select_n3A_32, %add3A_95 : i32
    %add3A_97 = vector.broadcast %add3A_96 : i32 to vector<16xi32>
    %add3A_98 = arith.addi %iota3A_94, %add3A_97 : vector<16xi32>
    %swap3A_99 = arith.constant 48 : index
    %swap3A_100 = tpu.vector_load %arg7[%swap3A_99] {strides = array<i32>} : memref<1024xi32, #tpu.memory_space<vmem>>, vector<16xi32>,
    %swap3A_101 = vector.shape_cast %swap3A_100 : vector<16xi32> to vector<16xi32>
    %swap3A_102 = vector.shape_cast %add3A_98 : vector<16xi32> to vector<16xi32>
    tpu.vector_store %arg7[%swap3A_99], %swap3A_102 {strides = array<i32>} : memref<1024xi32, #tpu.memory_space<vmem>>, vector<16xi32>,
    %iota3A_103 = tpu.iota {dimensions = array<i32: 0>} : vector<16xi32>
    %add3A_104 = arith.constant 64 : i32
    %add3A_105 = arith.addi %select_n3A_32, %add3A_104 : i32
    %add3A_106 = vector.broadcast %add3A_105 : i32 to vector<16xi32>
    %add3A_107 = arith.addi %iota3A_103, %add3A_106 : vector<16xi32>
    %swap3A_108 = arith.constant 64 : index
    %swap3A_109 = tpu.vector_load %arg7[%swap3A_108] {strides = array<i32>} : memref<1024xi32, #tpu.memory_space<vmem>>, vector<16xi32>,
    %swap3A_110 = vector.shape_cast %swap3A_109 : vector<16xi32> to vector<16xi32>
    %swap3A_111 = vector.shape_cast %add3A_107 : vector<16xi32> to vector<16xi32>
    tpu.vector_store %arg7[%swap3A_108], %swap3A_111 {strides = array<i32>} : memref<1024xi32, #tpu.memory_space<vmem>>, vector<16xi32>,
    %iota3A_112 = tpu.iota {dimensions = array<i32: 0>} : vector<16xi32>
    %add3A_113 = arith.constant 80 : i32
    %add3A_114 = arith.addi %select_n3A_32, %add3A_113 : i32
    %add3A_115 = vector.broadcast %add3A_114 : i32 to vector<16xi32>
    %add3A_116 = arith.addi %iota3A_112, %add3A_115 : vector<16xi32>
    %swap3A_117 = arith.constant 80 : index
    %swap3A_118 = tpu.vector_load %arg7[%swap3A_117] {strides = array<i32>} : memref<1024xi32, #tpu.memory_space<vmem>>, vector<16xi32>,
    %swap3A_119 = vector.shape_cast %swap3A_118 : vector<16xi32> to vector<16xi32>
    %swap3A_120 = vector.shape_cast %add3A_116 : vector<16xi32> to vector<16xi32>
    tpu.vector_store %arg7[%swap3A_117], %swap3A_120 {strides = array<i32>} : memref<1024xi32, #tpu.memory_space<vmem>>, vector<16xi32>,
    %iota3A_121 = tpu.iota {dimensions = array<i32: 0>} : vector<16xi32>
    %add3A_122 = arith.constant 96 : i32
    %add3A_123 = arith.addi %select_n3A_32, %add3A_122 : i32
    %add3A_124 = vector.broadcast %add3A_123 : i32 to vector<16xi32>
    %add3A_125 = arith.addi %iota3A_121, %add3A_124 : vector<16xi32>
    %swap3A_126 = arith.constant 96 : index
    %swap3A_127 = tpu.vector_load %arg7[%swap3A_126] {strides = array<i32>} : memref<1024xi32, #tpu.memory_space<vmem>>, vector<16xi32>,
    %swap3A_128 = vector.shape_cast %swap3A_127 : vector<16xi32> to vector<16xi32>
    %swap3A_129 = vector.shape_cast %add3A_125 : vector<16xi32> to vector<16xi32>
    tpu.vector_store %arg7[%swap3A_126], %swap3A_129 {strides = array<i32>} : memref<1024xi32, #tpu.memory_space<vmem>>, vector<16xi32>,
    %iota3A_130 = tpu.iota {dimensions = array<i32: 0>} : vector<16xi32>
    %add3A_131 = arith.constant 112 : i32
    %add3A_132 = arith.addi %select_n3A_32, %add3A_131 : i32
    %add3A_133 = vector.broadcast %add3A_132 : i32 to vector<16xi32>
    %add3A_134 = arith.addi %iota3A_130, %add3A_133 : vector<16xi32>
    %swap3A_135 = arith.constant 112 : index
    %swap3A_136 = tpu.vector_load %arg7[%swap3A_135] {strides = array<i32>} : memref<1024xi32, #tpu.memory_space<vmem>>, vector<16xi32>,
    %swap3A_137 = vector.shape_cast %swap3A_136 : vector<16xi32> to vector<16xi32>
    %swap3A_138 = vector.shape_cast %add3A_134 : vector<16xi32> to vector<16xi32>
    tpu.vector_store %arg7[%swap3A_135], %swap3A_138 {strides = array<i32>} : memref<1024xi32, #tpu.memory_space<vmem>>, vector<16xi32>,
    %iota3A_139 = tpu.iota {dimensions = array<i32: 0>} : vector<16xi32>
    %add3A_140 = arith.constant 128 : i32
    %add3A_141 = arith.addi %select_n3A_32, %add3A_140 : i32
    %add3A_142 = vector.broadcast %add3A_141 : i32 to vector<16xi32>
    %add3A_143 = arith.addi %iota3A_139, %add3A_142 : vector<16xi32>
    %swap3A_144 = arith.constant 128 : index
    %swap3A_145 = tpu.vector_load %arg7[%swap3A_144] {strides = array<i32>} : memref<1024xi32, #tpu.memory_space<vmem>>, vector<16xi32>,
    %swap3A_146 = vector.shape_cast %swap3A_145 : vector<16xi32> to vector<16xi32>
    %swap3A_147 = vector.shape_cast %add3A_143 : vector<16xi32> to vector<16xi32>
    tpu.vector_store %arg7[%swap3A_144], %swap3A_147 {strides = array<i32>} : memref<1024xi32, #tpu.memory_space<vmem>>, vector<16xi32>,
    %iota3A_148 = tpu.iota {dimensions = array<i32: 0>} : vector<16xi32>
    %add3A_149 = arith.constant 144 : i32
    %add3A_150 = arith.addi %select_n3A_32, %add3A_149 : i32
    %add3A_151 = vector.broadcast %add3A_150 : i32 to vector<16xi32>
    %add3A_152 = arith.addi %iota3A_148, %add3A_151 : vector<16xi32>
    %swap3A_153 = arith.constant 144 : index
    %swap3A_154 = tpu.vector_load %arg7[%swap3A_153] {strides = array<i32>} : memref<1024xi32, #tpu.memory_space<vmem>>, vector<16xi32>,
    %swap3A_155 = vector.shape_cast %swap3A_154 : vector<16xi32> to vector<16xi32>
    %swap3A_156 = vector.shape_cast %add3A_152 : vector<16xi32> to vector<16xi32>
    tpu.vector_store %arg7[%swap3A_153], %swap3A_156 {strides = array<i32>} : memref<1024xi32, #tpu.memory_space<vmem>>, vector<16xi32>,
    %iota3A_157 = tpu.iota {dimensions = array<i32: 0>} : vector<16xi32>
    %add3A_158 = arith.constant 160 : i32
    %add3A_159 = arith.addi %select_n3A_32, %add3A_158 : i32
    %add3A_160 = vector.broadcast %add3A_159 : i32 to vector<16xi32>
    %add3A_161 = arith.addi %iota3A_157, %add3A_160 : vector<16xi32>
    %swap3A_162 = arith.constant 160 : index
    %swap3A_163 = tpu.vector_load %arg7[%swap3A_162] {strides = array<i32>} : memref<1024xi32, #tpu.memory_space<vmem>>, vector<16xi32>,
    %swap3A_164 = vector.shape_cast %swap3A_163 : vector<16xi32> to vector<16xi32>
    %swap3A_165 = vector.shape_cast %add3A_161 : vector<16xi32> to vector<16xi32>
    tpu.vector_store %arg7[%swap3A_162], %swap3A_165 {strides = array<i32>} : memref<1024xi32, #tpu.memory_space<vmem>>, vector<16xi32>,
    %iota3A_166 = tpu.iota {dimensions = array<i32: 0>} : vector<16xi32>
    %add3A_167 = arith.constant 176 : i32
    %add3A_168 = arith.addi %select_n3A_32, %add3A_167 : i32
    %add3A_169 = vector.broadcast %add3A_168 : i32 to vector<16xi32>
    %add3A_170 = arith.addi %iota3A_166, %add3A_169 : vector<16xi32>
    %swap3A_171 = arith.constant 176 : index
    %swap3A_172 = tpu.vector_load %arg7[%swap3A_171] {strides = array<i32>} : memref<1024xi32, #tpu.memory_space<vmem>>, vector<16xi32>,
    %swap3A_173 = vector.shape_cast %swap3A_172 : vector<16xi32> to vector<16xi32>
    %swap3A_174 = vector.shape_cast %add3A_170 : vector<16xi32> to vector<16xi32>
    tpu.vector_store %arg7[%swap3A_171], %swap3A_174 {strides = array<i32>} : memref<1024xi32, #tpu.memory_space<vmem>>, vector<16xi32>,
    %iota3A_175 = tpu.iota {dimensions = array<i32: 0>} : vector<16xi32>
    %add3A_176 = arith.constant 192 : i32
    %add3A_177 = arith.addi %select_n3A_32, %add3A_176 : i32
    %add3A_178 = vector.broadcast %add3A_177 : i32 to vector<16xi32>
    %add3A_179 = arith.addi %iota3A_175, %add3A_178 : vector<16xi32>
    %swap3A_180 = arith.constant 192 : index
    %swap3A_181 = tpu.vector_load %arg7[%swap3A_180] {strides = array<i32>} : memref<1024xi32, #tpu.memory_space<vmem>>, vector<16xi32>,
    %swap3A_182 = vector.shape_cast %swap3A_181 : vector<16xi32> to vector<16xi32>
    %swap3A_183 = vector.shape_cast %add3A_179 : vector<16xi32> to vector<16xi32>
    tpu.vector_store %arg7[%swap3A_180], %swap3A_183 {strides = array<i32>} : memref<1024xi32, #tpu.memory_space<vmem>>, vector<16xi32>,
    %iota3A_184 = tpu.iota {dimensions = array<i32: 0>} : vector<16xi32>
    %add3A_185 = arith.constant 208 : i32
    %add3A_186 = arith.addi %select_n3A_32, %add3A_185 : i32
    %add3A_187 = vector.broadcast %add3A_186 : i32 to vector<16xi32>
    %add3A_188 = arith.addi %iota3A_184, %add3A_187 : vector<16xi32>
    %swap3A_189 = arith.constant 208 : index
    %swap3A_190 = tpu.vector_load %arg7[%swap3A_189] {strides = array<i32>} : memref<1024xi32, #tpu.memory_space<vmem>>, vector<16xi32>,
    %swap3A_191 = vector.shape_cast %swap3A_190 : vector<16xi32> to vector<16xi32>
    %swap3A_192 = vector.shape_cast %add3A_188 : vector<16xi32> to vector<16xi32>
    tpu.vector_store %arg7[%swap3A_189], %swap3A_192 {strides = array<i32>} : memref<1024xi32, #tpu.memory_space<vmem>>, vector<16xi32>,
    %iota3A_193 = tpu.iota {dimensions = array<i32: 0>} : vector<16xi32>
    %add3A_194 = arith.constant 224 : i32
    %add3A_195 = arith.addi %select_n3A_32, %add3A_194 : i32
    %add3A_196 = vector.broadcast %add3A_195 : i32 to vector<16xi32>
    %add3A_197 = arith.addi %iota3A_193, %add3A_196 : vector<16xi32>
    %swap3A_198 = arith.constant 224 : index
    %swap3A_199 = tpu.vector_load %arg7[%swap3A_198] {strides = array<i32>} : memref<1024xi32, #tpu.memory_space<vmem>>, vector<16xi32>,
    %swap3A_200 = vector.shape_cast %swap3A_199 : vector<16xi32> to vector<16xi32>
    %swap3A_201 = vector.shape_cast %add3A_197 : vector<16xi32> to vector<16xi32>
    tpu.vector_store %arg7[%swap3A_198], %swap3A_201 {strides = array<i32>} : memref<1024xi32, #tpu.memory_space<vmem>>, vector<16xi32>,
    %iota3A_202 = tpu.iota {dimensions = array<i32: 0>} : vector<16xi32>
    %add3A_203 = arith.constant 240 : i32
    %add3A_204 = arith.addi %select_n3A_32, %add3A_203 : i32
    %add3A_205 = vector.broadcast %add3A_204 : i32 to vector<16xi32>
    %add3A_206 = arith.addi %iota3A_202, %add3A_205 : vector<16xi32>
    %swap3A_207 = arith.constant 240 : index
    %swap3A_208 = tpu.vector_load %arg7[%swap3A_207] {strides = array<i32>} : memref<1024xi32, #tpu.memory_space<vmem>>, vector<16xi32>,
    %swap3A_209 = vector.shape_cast %swap3A_208 : vector<16xi32> to vector<16xi32>
    %swap3A_210 = vector.shape_cast %add3A_206 : vector<16xi32> to vector<16xi32>
    tpu.vector_store %arg7[%swap3A_207], %swap3A_210 {strides = array<i32>} : memref<1024xi32, #tpu.memory_space<vmem>>, vector<16xi32>,
    %iota3A_211 = tpu.iota {dimensions = array<i32: 0>} : vector<16xi32>
    %add3A_212 = arith.constant 256 : i32
    %add3A_213 = arith.addi %select_n3A_32, %add3A_212 : i32
    %add3A_214 = vector.broadcast %add3A_213 : i32 to vector<16xi32>
    %add3A_215 = arith.addi %iota3A_211, %add3A_214 : vector<16xi32>
    %swap3A_216 = arith.constant 256 : index
    %swap3A_217 = tpu.vector_load %arg7[%swap3A_216] {strides = array<i32>} : memref<1024xi32, #tpu.memory_space<vmem>>, vector<16xi32>,
    %swap3A_218 = vector.shape_cast %swap3A_217 : vector<16xi32> to vector<16xi32>
    %swap3A_219 = vector.shape_cast %add3A_215 : vector<16xi32> to vector<16xi32>
    tpu.vector_store %arg7[%swap3A_216], %swap3A_219 {strides = array<i32>} : memref<1024xi32, #tpu.memory_space<vmem>>, vector<16xi32>,
    %iota3A_220 = tpu.iota {dimensions = array<i32: 0>} : vector<16xi32>
    %add3A_221 = arith.constant 272 : i32
    %add3A_222 = arith.addi %select_n3A_32, %add3A_221 : i32
    %add3A_223 = vector.broadcast %add3A_222 : i32 to vector<16xi32>
    %add3A_224 = arith.addi %iota3A_220, %add3A_223 : vector<16xi32>
    %swap3A_225 = arith.constant 272 : index
    %swap3A_226 = tpu.vector_load %arg7[%swap3A_225] {strides = array<i32>} : memref<1024xi32, #tpu.memory_space<vmem>>, vector<16xi32>,
    %swap3A_227 = vector.shape_cast %swap3A_226 : vector<16xi32> to vector<16xi32>
    %swap3A_228 = vector.shape_cast %add3A_224 : vector<16xi32> to vector<16xi32>
    tpu.vector_store %arg7[%swap3A_225], %swap3A_228 {strides = array<i32>} : memref<1024xi32, #tpu.memory_space<vmem>>, vector<16xi32>,
    %iota3A_229 = tpu.iota {dimensions = array<i32: 0>} : vector<16xi32>
    %add3A_230 = arith.constant 288 : i32
    %add3A_231 = arith.addi %select_n3A_32, %add3A_230 : i32
    %add3A_232 = vector.broadcast %add3A_231 : i32 to vector<16xi32>
    %add3A_233 = arith.addi %iota3A_229, %add3A_232 : vector<16xi32>
    %swap3A_234 = arith.constant 288 : index
    %swap3A_235 = tpu.vector_load %arg7[%swap3A_234] {strides = array<i32>} : memref<1024xi32, #tpu.memory_space<vmem>>, vector<16xi32>,
    %swap3A_236 = vector.shape_cast %swap3A_235 : vector<16xi32> to vector<16xi32>
    %swap3A_237 = vector.shape_cast %add3A_233 : vector<16xi32> to vector<16xi32>
    tpu.vector_store %arg7[%swap3A_234], %swap3A_237 {strides = array<i32>} : memref<1024xi32, #tpu.memory_space<vmem>>, vector<16xi32>,
    %iota3A_238 = tpu.iota {dimensions = array<i32: 0>} : vector<16xi32>
    %add3A_239 = arith.constant 304 : i32
    %add3A_240 = arith.addi %select_n3A_32, %add3A_239 : i32
    %add3A_241 = vector.broadcast %add3A_240 : i32 to vector<16xi32>
    %add3A_242 = arith.addi %iota3A_238, %add3A_241 : vector<16xi32>
    %swap3A_243 = arith.constant 304 : index
    %swap3A_244 = tpu.vector_load %arg7[%swap3A_243] {strides = array<i32>} : memref<1024xi32, #tpu.memory_space<vmem>>, vector<16xi32>,
    %swap3A_245 = vector.shape_cast %swap3A_244 : vector<16xi32> to vector<16xi32>
    %swap3A_246 = vector.shape_cast %add3A_242 : vector<16xi32> to vector<16xi32>
    tpu.vector_store %arg7[%swap3A_243], %swap3A_246 {strides = array<i32>} : memref<1024xi32, #tpu.memory_space<vmem>>, vector<16xi32>,
    %iota3A_247 = tpu.iota {dimensions = array<i32: 0>} : vector<16xi32>
    %add3A_248 = arith.constant 320 : i32
    %add3A_249 = arith.addi %select_n3A_32, %add3A_248 : i32
    %add3A_250 = vector.broadcast %add3A_249 : i32 to vector<16xi32>
    %add3A_251 = arith.addi %iota3A_247, %add3A_250 : vector<16xi32>
    %swap3A_252 = arith.constant 320 : index
    %swap3A_253 = tpu.vector_load %arg7[%swap3A_252] {strides = array<i32>} : memref<1024xi32, #tpu.memory_space<vmem>>, vector<16xi32>,
    %swap3A_254 = vector.shape_cast %swap3A_253 : vector<16xi32> to vector<16xi32>
    %swap3A_255 = vector.shape_cast %add3A_251 : vector<16xi32> to vector<16xi32>
    tpu.vector_store %arg7[%swap3A_252], %swap3A_255 {strides = array<i32>} : memref<1024xi32, #tpu.memory_space<vmem>>, vector<16xi32>,
    %iota3A_256 = tpu.iota {dimensions = array<i32: 0>} : vector<16xi32>
    %add3A_257 = arith.constant 336 : i32
    %add3A_258 = arith.addi %select_n3A_32, %add3A_257 : i32
    %add3A_259 = vector.broadcast %add3A_258 : i32 to vector<16xi32>
    %add3A_260 = arith.addi %iota3A_256, %add3A_259 : vector<16xi32>
    %swap3A_261 = arith.constant 336 : index
    %swap3A_262 = tpu.vector_load %arg7[%swap3A_261] {strides = array<i32>} : memref<1024xi32, #tpu.memory_space<vmem>>, vector<16xi32>,
    %swap3A_263 = vector.shape_cast %swap3A_262 : vector<16xi32> to vector<16xi32>
    %swap3A_264 = vector.shape_cast %add3A_260 : vector<16xi32> to vector<16xi32>
    tpu.vector_store %arg7[%swap3A_261], %swap3A_264 {strides = array<i32>} : memref<1024xi32, #tpu.memory_space<vmem>>, vector<16xi32>,
    %iota3A_265 = tpu.iota {dimensions = array<i32: 0>} : vector<16xi32>
    %add3A_266 = arith.constant 352 : i32
    %add3A_267 = arith.addi %select_n3A_32, %add3A_266 : i32
    %add3A_268 = vector.broadcast %add3A_267 : i32 to vector<16xi32>
    %add3A_269 = arith.addi %iota3A_265, %add3A_268 : vector<16xi32>
    %swap3A_270 = arith.constant 352 : index
    %swap3A_271 = tpu.vector_load %arg7[%swap3A_270] {strides = array<i32>} : memref<1024xi32, #tpu.memory_space<vmem>>, vector<16xi32>,
    %swap3A_272 = vector.shape_cast %swap3A_271 : vector<16xi32> to vector<16xi32>
    %swap3A_273 = vector.shape_cast %add3A_269 : vector<16xi32> to vector<16xi32>
    tpu.vector_store %arg7[%swap3A_270], %swap3A_273 {strides = array<i32>} : memref<1024xi32, #tpu.memory_space<vmem>>, vector<16xi32>,
    %iota3A_274 = tpu.iota {dimensions = array<i32: 0>} : vector<16xi32>
    %add3A_275 = arith.constant 368 : i32
    %add3A_276 = arith.addi %select_n3A_32, %add3A_275 : i32
    %add3A_277 = vector.broadcast %add3A_276 : i32 to vector<16xi32>
    %add3A_278 = arith.addi %iota3A_274, %add3A_277 : vector<16xi32>
    %swap3A_279 = arith.constant 368 : index
    %swap3A_280 = tpu.vector_load %arg7[%swap3A_279] {strides = array<i32>} : memref<1024xi32, #tpu.memory_space<vmem>>, vector<16xi32>,
    %swap3A_281 = vector.shape_cast %swap3A_280 : vector<16xi32> to vector<16xi32>
    %swap3A_282 = vector.shape_cast %add3A_278 : vector<16xi32> to vector<16xi32>
    tpu.vector_store %arg7[%swap3A_279], %swap3A_282 {strides = array<i32>} : memref<1024xi32, #tpu.memory_space<vmem>>, vector<16xi32>,
    %iota3A_283 = tpu.iota {dimensions = array<i32: 0>} : vector<16xi32>
    %add3A_284 = arith.constant 384 : i32
    %add3A_285 = arith.addi %select_n3A_32, %add3A_284 : i32
    %add3A_286 = vector.broadcast %add3A_285 : i32 to vector<16xi32>
    %add3A_287 = arith.addi %iota3A_283, %add3A_286 : vector<16xi32>
    %swap3A_288 = arith.constant 384 : index
    %swap3A_289 = tpu.vector_load %arg7[%swap3A_288] {strides = array<i32>} : memref<1024xi32, #tpu.memory_space<vmem>>, vector<16xi32>,
    %swap3A_290 = vector.shape_cast %swap3A_289 : vector<16xi32> to vector<16xi32>
    %swap3A_291 = vector.shape_cast %add3A_287 : vector<16xi32> to vector<16xi32>
    tpu.vector_store %arg7[%swap3A_288], %swap3A_291 {strides = array<i32>} : memref<1024xi32, #tpu.memory_space<vmem>>, vector<16xi32>,
    %iota3A_292 = tpu.iota {dimensions = array<i32: 0>} : vector<16xi32>
    %add3A_293 = arith.constant 400 : i32
    %add3A_294 = arith.addi %select_n3A_32, %add3A_293 : i32
    %add3A_295 = vector.broadcast %add3A_294 : i32 to vector<16xi32>
    %add3A_296 = arith.addi %iota3A_292, %add3A_295 : vector<16xi32>
    %swap3A_297 = arith.constant 400 : index
    %swap3A_298 = tpu.vector_load %arg7[%swap3A_297] {strides = array<i32>} : memref<1024xi32, #tpu.memory_space<vmem>>, vector<16xi32>,
    %swap3A_299 = vector.shape_cast %swap3A_298 : vector<16xi32> to vector<16xi32>
    %swap3A_300 = vector.shape_cast %add3A_296 : vector<16xi32> to vector<16xi32>
    tpu.vector_store %arg7[%swap3A_297], %swap3A_300 {strides = array<i32>} : memref<1024xi32, #tpu.memory_space<vmem>>, vector<16xi32>,
    %iota3A_301 = tpu.iota {dimensions = array<i32: 0>} : vector<16xi32>
    %add3A_302 = arith.constant 416 : i32
    %add3A_303 = arith.addi %select_n3A_32, %add3A_302 : i32
    %add3A_304 = vector.broadcast %add3A_303 : i32 to vector<16xi32>
    %add3A_305 = arith.addi %iota3A_301, %add3A_304 : vector<16xi32>
    %swap3A_306 = arith.constant 416 : index
    %swap3A_307 = tpu.vector_load %arg7[%swap3A_306] {strides = array<i32>} : memref<1024xi32, #tpu.memory_space<vmem>>, vector<16xi32>,
    %swap3A_308 = vector.shape_cast %swap3A_307 : vector<16xi32> to vector<16xi32>
    %swap3A_309 = vector.shape_cast %add3A_305 : vector<16xi32> to vector<16xi32>
    tpu.vector_store %arg7[%swap3A_306], %swap3A_309 {strides = array<i32>} : memref<1024xi32, #tpu.memory_space<vmem>>, vector<16xi32>,
    %iota3A_310 = tpu.iota {dimensions = array<i32: 0>} : vector<16xi32>
    %add3A_311 = arith.constant 432 : i32
    %add3A_312 = arith.addi %select_n3A_32, %add3A_311 : i32
    %add3A_313 = vector.broadcast %add3A_312 : i32 to vector<16xi32>
    %add3A_314 = arith.addi %iota3A_310, %add3A_313 : vector<16xi32>
    %swap3A_315 = arith.constant 432 : index
    %swap3A_316 = tpu.vector_load %arg7[%swap3A_315] {strides = array<i32>} : memref<1024xi32, #tpu.memory_space<vmem>>, vector<16xi32>,
    %swap3A_317 = vector.shape_cast %swap3A_316 : vector<16xi32> to vector<16xi32>
    %swap3A_318 = vector.shape_cast %add3A_314 : vector<16xi32> to vector<16xi32>
    tpu.vector_store %arg7[%swap3A_315], %swap3A_318 {strides = array<i32>} : memref<1024xi32, #tpu.memory_space<vmem>>, vector<16xi32>,
    %iota3A_319 = tpu.iota {dimensions = array<i32: 0>} : vector<16xi32>
    %add3A_320 = arith.constant 448 : i32
    %add3A_321 = arith.addi %select_n3A_32, %add3A_320 : i32
    %add3A_322 = vector.broadcast %add3A_321 : i32 to vector<16xi32>
    %add3A_323 = arith.addi %iota3A_319, %add3A_322 : vector<16xi32>
    %swap3A_324 = arith.constant 448 : index
    %swap3A_325 = tpu.vector_load %arg7[%swap3A_324] {strides = array<i32>} : memref<1024xi32, #tpu.memory_space<vmem>>, vector<16xi32>,
    %swap3A_326 = vector.shape_cast %swap3A_325 : vector<16xi32> to vector<16xi32>
    %swap3A_327 = vector.shape_cast %add3A_323 : vector<16xi32> to vector<16xi32>
    tpu.vector_store %arg7[%swap3A_324], %swap3A_327 {strides = array<i32>} : memref<1024xi32, #tpu.memory_space<vmem>>, vector<16xi32>,
    %iota3A_328 = tpu.iota {dimensions = array<i32: 0>} : vector<16xi32>
    %add3A_329 = arith.constant 464 : i32
    %add3A_330 = arith.addi %select_n3A_32, %add3A_329 : i32
    %add3A_331 = vector.broadcast %add3A_330 : i32 to vector<16xi32>
    %add3A_332 = arith.addi %iota3A_328, %add3A_331 : vector<16xi32>
    %swap3A_333 = arith.constant 464 : index
    %swap3A_334 = tpu.vector_load %arg7[%swap3A_333] {strides = array<i32>} : memref<1024xi32, #tpu.memory_space<vmem>>, vector<16xi32>,
    %swap3A_335 = vector.shape_cast %swap3A_334 : vector<16xi32> to vector<16xi32>
    %swap3A_336 = vector.shape_cast %add3A_332 : vector<16xi32> to vector<16xi32>
    tpu.vector_store %arg7[%swap3A_333], %swap3A_336 {strides = array<i32>} : memref<1024xi32, #tpu.memory_space<vmem>>, vector<16xi32>,
    %iota3A_337 = tpu.iota {dimensions = array<i32: 0>} : vector<16xi32>
    %add3A_338 = arith.constant 480 : i32
    %add3A_339 = arith.addi %select_n3A_32, %add3A_338 : i32
    %add3A_340 = vector.broadcast %add3A_339 : i32 to vector<16xi32>
    %add3A_341 = arith.addi %iota3A_337, %add3A_340 : vector<16xi32>
    %swap3A_342 = arith.constant 480 : index
    %swap3A_343 = tpu.vector_load %arg7[%swap3A_342] {strides = array<i32>} : memref<1024xi32, #tpu.memory_space<vmem>>, vector<16xi32>,
    %swap3A_344 = vector.shape_cast %swap3A_343 : vector<16xi32> to vector<16xi32>
    %swap3A_345 = vector.shape_cast %add3A_341 : vector<16xi32> to vector<16xi32>
    tpu.vector_store %arg7[%swap3A_342], %swap3A_345 {strides = array<i32>} : memref<1024xi32, #tpu.memory_space<vmem>>, vector<16xi32>,
    %iota3A_346 = tpu.iota {dimensions = array<i32: 0>} : vector<16xi32>
    %add3A_347 = arith.constant 496 : i32
    %add3A_348 = arith.addi %select_n3A_32, %add3A_347 : i32
    %add3A_349 = vector.broadcast %add3A_348 : i32 to vector<16xi32>
    %add3A_350 = arith.addi %iota3A_346, %add3A_349 : vector<16xi32>
    %swap3A_351 = arith.constant 496 : index
    %swap3A_352 = tpu.vector_load %arg7[%swap3A_351] {strides = array<i32>} : memref<1024xi32, #tpu.memory_space<vmem>>, vector<16xi32>,
    %swap3A_353 = vector.shape_cast %swap3A_352 : vector<16xi32> to vector<16xi32>
    %swap3A_354 = vector.shape_cast %add3A_350 : vector<16xi32> to vector<16xi32>
    tpu.vector_store %arg7[%swap3A_351], %swap3A_354 {strides = array<i32>} : memref<1024xi32, #tpu.memory_space<vmem>>, vector<16xi32>,
    %iota3A_355 = tpu.iota {dimensions = array<i32: 0>} : vector<16xi32>
    %add3A_356 = arith.constant 512 : i32
    %add3A_357 = arith.addi %select_n3A_32, %add3A_356 : i32
    %add3A_358 = vector.broadcast %add3A_357 : i32 to vector<16xi32>
    %add3A_359 = arith.addi %iota3A_355, %add3A_358 : vector<16xi32>
    %swap3A_360 = arith.constant 512 : index
    %swap3A_361 = tpu.vector_load %arg7[%swap3A_360] {strides = array<i32>} : memref<1024xi32, #tpu.memory_space<vmem>>, vector<16xi32>,
    %swap3A_362 = vector.shape_cast %swap3A_361 : vector<16xi32> to vector<16xi32>
    %swap3A_363 = vector.shape_cast %add3A_359 : vector<16xi32> to vector<16xi32>
    tpu.vector_store %arg7[%swap3A_360], %swap3A_363 {strides = array<i32>} : memref<1024xi32, #tpu.memory_space<vmem>>, vector<16xi32>,
    %iota3A_364 = tpu.iota {dimensions = array<i32: 0>} : vector<16xi32>
    %add3A_365 = arith.constant 528 : i32
    %add3A_366 = arith.addi %select_n3A_32, %add3A_365 : i32
    %add3A_367 = vector.broadcast %add3A_366 : i32 to vector<16xi32>
    %add3A_368 = arith.addi %iota3A_364, %add3A_367 : vector<16xi32>
    %swap3A_369 = arith.constant 528 : index
    %swap3A_370 = tpu.vector_load %arg7[%swap3A_369] {strides = array<i32>} : memref<1024xi32, #tpu.memory_space<vmem>>, vector<16xi32>,
    %swap3A_371 = vector.shape_cast %swap3A_370 : vector<16xi32> to vector<16xi32>
    %swap3A_372 = vector.shape_cast %add3A_368 : vector<16xi32> to vector<16xi32>
    tpu.vector_store %arg7[%swap3A_369], %swap3A_372 {strides = array<i32>} : memref<1024xi32, #tpu.memory_space<vmem>>, vector<16xi32>,
    %iota3A_373 = tpu.iota {dimensions = array<i32: 0>} : vector<16xi32>
    %add3A_374 = arith.constant 544 : i32
    %add3A_375 = arith.addi %select_n3A_32, %add3A_374 : i32
    %add3A_376 = vector.broadcast %add3A_375 : i32 to vector<16xi32>
    %add3A_377 = arith.addi %iota3A_373, %add3A_376 : vector<16xi32>
    %swap3A_378 = arith.constant 544 : index
    %swap3A_379 = tpu.vector_load %arg7[%swap3A_378] {strides = array<i32>} : memref<1024xi32, #tpu.memory_space<vmem>>, vector<16xi32>,
    %swap3A_380 = vector.shape_cast %swap3A_379 : vector<16xi32> to vector<16xi32>
    %swap3A_381 = vector.shape_cast %add3A_377 : vector<16xi32> to vector<16xi32>
    tpu.vector_store %arg7[%swap3A_378], %swap3A_381 {strides = array<i32>} : memref<1024xi32, #tpu.memory_space<vmem>>, vector<16xi32>,
    %iota3A_382 = tpu.iota {dimensions = array<i32: 0>} : vector<16xi32>
    %add3A_383 = arith.constant 560 : i32
    %add3A_384 = arith.addi %select_n3A_32, %add3A_383 : i32
    %add3A_385 = vector.broadcast %add3A_384 : i32 to vector<16xi32>
    %add3A_386 = arith.addi %iota3A_382, %add3A_385 : vector<16xi32>
    %swap3A_387 = arith.constant 560 : index
    %swap3A_388 = tpu.vector_load %arg7[%swap3A_387] {strides = array<i32>} : memref<1024xi32, #tpu.memory_space<vmem>>, vector<16xi32>,
    %swap3A_389 = vector.shape_cast %swap3A_388 : vector<16xi32> to vector<16xi32>
    %swap3A_390 = vector.shape_cast %add3A_386 : vector<16xi32> to vector<16xi32>
    tpu.vector_store %arg7[%swap3A_387], %swap3A_390 {strides = array<i32>} : memref<1024xi32, #tpu.memory_space<vmem>>, vector<16xi32>,
    %iota3A_391 = tpu.iota {dimensions = array<i32: 0>} : vector<16xi32>
    %add3A_392 = arith.constant 576 : i32
    %add3A_393 = arith.addi %select_n3A_32, %add3A_392 : i32
    %add3A_394 = vector.broadcast %add3A_393 : i32 to vector<16xi32>
    %add3A_395 = arith.addi %iota3A_391, %add3A_394 : vector<16xi32>
    %swap3A_396 = arith.constant 576 : index
    %swap3A_397 = tpu.vector_load %arg7[%swap3A_396] {strides = array<i32>} : memref<1024xi32, #tpu.memory_space<vmem>>, vector<16xi32>,
    %swap3A_398 = vector.shape_cast %swap3A_397 : vector<16xi32> to vector<16xi32>
    %swap3A_399 = vector.shape_cast %add3A_395 : vector<16xi32> to vector<16xi32>
    tpu.vector_store %arg7[%swap3A_396], %swap3A_399 {strides = array<i32>} : memref<1024xi32, #tpu.memory_space<vmem>>, vector<16xi32>,
    %iota3A_400 = tpu.iota {dimensions = array<i32: 0>} : vector<16xi32>
    %add3A_401 = arith.constant 592 : i32
    %add3A_402 = arith.addi %select_n3A_32, %add3A_401 : i32
    %add3A_403 = vector.broadcast %add3A_402 : i32 to vector<16xi32>
    %add3A_404 = arith.addi %iota3A_400, %add3A_403 : vector<16xi32>
    %swap3A_405 = arith.constant 592 : index
    %swap3A_406 = tpu.vector_load %arg7[%swap3A_405] {strides = array<i32>} : memref<1024xi32, #tpu.memory_space<vmem>>, vector<16xi32>,
    %swap3A_407 = vector.shape_cast %swap3A_406 : vector<16xi32> to vector<16xi32>
    %swap3A_408 = vector.shape_cast %add3A_404 : vector<16xi32> to vector<16xi32>
    tpu.vector_store %arg7[%swap3A_405], %swap3A_408 {strides = array<i32>} : memref<1024xi32, #tpu.memory_space<vmem>>, vector<16xi32>,
    %iota3A_409 = tpu.iota {dimensions = array<i32: 0>} : vector<16xi32>
    %add3A_410 = arith.constant 608 : i32
    %add3A_411 = arith.addi %select_n3A_32, %add3A_410 : i32
    %add3A_412 = vector.broadcast %add3A_411 : i32 to vector<16xi32>
    %add3A_413 = arith.addi %iota3A_409, %add3A_412 : vector<16xi32>
    %swap3A_414 = arith.constant 608 : index
    %swap3A_415 = tpu.vector_load %arg7[%swap3A_414] {strides = array<i32>} : memref<1024xi32, #tpu.memory_space<vmem>>, vector<16xi32>,
    %swap3A_416 = vector.shape_cast %swap3A_415 : vector<16xi32> to vector<16xi32>
    %swap3A_417 = vector.shape_cast %add3A_413 : vector<16xi32> to vector<16xi32>
    tpu.vector_store %arg7[%swap3A_414], %swap3A_417 {strides = array<i32>} : memref<1024xi32, #tpu.memory_space<vmem>>, vector<16xi32>,
    %iota3A_418 = tpu.iota {dimensions = array<i32: 0>} : vector<16xi32>
    %add3A_419 = arith.constant 624 : i32
    %add3A_420 = arith.addi %select_n3A_32, %add3A_419 : i32
    %add3A_421 = vector.broadcast %add3A_420 : i32 to vector<16xi32>
    %add3A_422 = arith.addi %iota3A_418, %add3A_421 : vector<16xi32>
    %swap3A_423 = arith.constant 624 : index
    %swap3A_424 = tpu.vector_load %arg7[%swap3A_423] {strides = array<i32>} : memref<1024xi32, #tpu.memory_space<vmem>>, vector<16xi32>,
    %swap3A_425 = vector.shape_cast %swap3A_424 : vector<16xi32> to vector<16xi32>
    %swap3A_426 = vector.shape_cast %add3A_422 : vector<16xi32> to vector<16xi32>
    tpu.vector_store %arg7[%swap3A_423], %swap3A_426 {strides = array<i32>} : memref<1024xi32, #tpu.memory_space<vmem>>, vector<16xi32>,
    %iota3A_427 = tpu.iota {dimensions = array<i32: 0>} : vector<16xi32>
    %add3A_428 = arith.constant 640 : i32
    %add3A_429 = arith.addi %select_n3A_32, %add3A_428 : i32
    %add3A_430 = vector.broadcast %add3A_429 : i32 to vector<16xi32>
    %add3A_431 = arith.addi %iota3A_427, %add3A_430 : vector<16xi32>
    %swap3A_432 = arith.constant 640 : index
    %swap3A_433 = tpu.vector_load %arg7[%swap3A_432] {strides = array<i32>} : memref<1024xi32, #tpu.memory_space<vmem>>, vector<16xi32>,
    %swap3A_434 = vector.shape_cast %swap3A_433 : vector<16xi32> to vector<16xi32>
    %swap3A_435 = vector.shape_cast %add3A_431 : vector<16xi32> to vector<16xi32>
    tpu.vector_store %arg7[%swap3A_432], %swap3A_435 {strides = array<i32>} : memref<1024xi32, #tpu.memory_space<vmem>>, vector<16xi32>,
    %iota3A_436 = tpu.iota {dimensions = array<i32: 0>} : vector<16xi32>
    %add3A_437 = arith.constant 656 : i32
    %add3A_438 = arith.addi %select_n3A_32, %add3A_437 : i32
    %add3A_439 = vector.broadcast %add3A_438 : i32 to vector<16xi32>
    %add3A_440 = arith.addi %iota3A_436, %add3A_439 : vector<16xi32>
    %swap3A_441 = arith.constant 656 : index
    %swap3A_442 = tpu.vector_load %arg7[%swap3A_441] {strides = array<i32>} : memref<1024xi32, #tpu.memory_space<vmem>>, vector<16xi32>,
    %swap3A_443 = vector.shape_cast %swap3A_442 : vector<16xi32> to vector<16xi32>
    %swap3A_444 = vector.shape_cast %add3A_440 : vector<16xi32> to vector<16xi32>
    tpu.vector_store %arg7[%swap3A_441], %swap3A_444 {strides = array<i32>} : memref<1024xi32, #tpu.memory_space<vmem>>, vector<16xi32>,
    %iota3A_445 = tpu.iota {dimensions = array<i32: 0>} : vector<16xi32>
    %add3A_446 = arith.constant 672 : i32
    %add3A_447 = arith.addi %select_n3A_32, %add3A_446 : i32
    %add3A_448 = vector.broadcast %add3A_447 : i32 to vector<16xi32>
    %add3A_449 = arith.addi %iota3A_445, %add3A_448 : vector<16xi32>
    %swap3A_450 = arith.constant 672 : index
    %swap3A_451 = tpu.vector_load %arg7[%swap3A_450] {strides = array<i32>} : memref<1024xi32, #tpu.memory_space<vmem>>, vector<16xi32>,
    %swap3A_452 = vector.shape_cast %swap3A_451 : vector<16xi32> to vector<16xi32>
    %swap3A_453 = vector.shape_cast %add3A_449 : vector<16xi32> to vector<16xi32>
    tpu.vector_store %arg7[%swap3A_450], %swap3A_453 {strides = array<i32>} : memref<1024xi32, #tpu.memory_space<vmem>>, vector<16xi32>,
    %iota3A_454 = tpu.iota {dimensions = array<i32: 0>} : vector<16xi32>
    %add3A_455 = arith.constant 688 : i32
    %add3A_456 = arith.addi %select_n3A_32, %add3A_455 : i32
    %add3A_457 = vector.broadcast %add3A_456 : i32 to vector<16xi32>
    %add3A_458 = arith.addi %iota3A_454, %add3A_457 : vector<16xi32>
    %swap3A_459 = arith.constant 688 : index
    %swap3A_460 = tpu.vector_load %arg7[%swap3A_459] {strides = array<i32>} : memref<1024xi32, #tpu.memory_space<vmem>>, vector<16xi32>,
    %swap3A_461 = vector.shape_cast %swap3A_460 : vector<16xi32> to vector<16xi32>
    %swap3A_462 = vector.shape_cast %add3A_458 : vector<16xi32> to vector<16xi32>
    tpu.vector_store %arg7[%swap3A_459], %swap3A_462 {strides = array<i32>} : memref<1024xi32, #tpu.memory_space<vmem>>, vector<16xi32>,
    %iota3A_463 = tpu.iota {dimensions = array<i32: 0>} : vector<16xi32>
    %add3A_464 = arith.constant 704 : i32
    %add3A_465 = arith.addi %select_n3A_32, %add3A_464 : i32
    %add3A_466 = vector.broadcast %add3A_465 : i32 to vector<16xi32>
    %add3A_467 = arith.addi %iota3A_463, %add3A_466 : vector<16xi32>
    %swap3A_468 = arith.constant 704 : index
    %swap3A_469 = tpu.vector_load %arg7[%swap3A_468] {strides = array<i32>} : memref<1024xi32, #tpu.memory_space<vmem>>, vector<16xi32>,
    %swap3A_470 = vector.shape_cast %swap3A_469 : vector<16xi32> to vector<16xi32>
    %swap3A_471 = vector.shape_cast %add3A_467 : vector<16xi32> to vector<16xi32>
    tpu.vector_store %arg7[%swap3A_468], %swap3A_471 {strides = array<i32>} : memref<1024xi32, #tpu.memory_space<vmem>>, vector<16xi32>,
    %iota3A_472 = tpu.iota {dimensions = array<i32: 0>} : vector<16xi32>
    %add3A_473 = arith.constant 720 : i32
    %add3A_474 = arith.addi %select_n3A_32, %add3A_473 : i32
    %add3A_475 = vector.broadcast %add3A_474 : i32 to vector<16xi32>
    %add3A_476 = arith.addi %iota3A_472, %add3A_475 : vector<16xi32>
    %swap3A_477 = arith.constant 720 : index
    %swap3A_478 = tpu.vector_load %arg7[%swap3A_477] {strides = array<i32>} : memref<1024xi32, #tpu.memory_space<vmem>>, vector<16xi32>,
    %swap3A_479 = vector.shape_cast %swap3A_478 : vector<16xi32> to vector<16xi32>
    %swap3A_480 = vector.shape_cast %add3A_476 : vector<16xi32> to vector<16xi32>
    tpu.vector_store %arg7[%swap3A_477], %swap3A_480 {strides = array<i32>} : memref<1024xi32, #tpu.memory_space<vmem>>, vector<16xi32>,
    %iota3A_481 = tpu.iota {dimensions = array<i32: 0>} : vector<16xi32>
    %add3A_482 = arith.constant 736 : i32
    %add3A_483 = arith.addi %select_n3A_32, %add3A_482 : i32
    %add3A_484 = vector.broadcast %add3A_483 : i32 to vector<16xi32>
    %add3A_485 = arith.addi %iota3A_481, %add3A_484 : vector<16xi32>
    %swap3A_486 = arith.constant 736 : index
    %swap3A_487 = tpu.vector_load %arg7[%swap3A_486] {strides = array<i32>} : memref<1024xi32, #tpu.memory_space<vmem>>, vector<16xi32>,
    %swap3A_488 = vector.shape_cast %swap3A_487 : vector<16xi32> to vector<16xi32>
    %swap3A_489 = vector.shape_cast %add3A_485 : vector<16xi32> to vector<16xi32>
    tpu.vector_store %arg7[%swap3A_486], %swap3A_489 {strides = array<i32>} : memref<1024xi32, #tpu.memory_space<vmem>>, vector<16xi32>,
    %iota3A_490 = tpu.iota {dimensions = array<i32: 0>} : vector<16xi32>
    %add3A_491 = arith.constant 752 : i32
    %add3A_492 = arith.addi %select_n3A_32, %add3A_491 : i32
    %add3A_493 = vector.broadcast %add3A_492 : i32 to vector<16xi32>
    %add3A_494 = arith.addi %iota3A_490, %add3A_493 : vector<16xi32>
    %swap3A_495 = arith.constant 752 : index
    %swap3A_496 = tpu.vector_load %arg7[%swap3A_495] {strides = array<i32>} : memref<1024xi32, #tpu.memory_space<vmem>>, vector<16xi32>,
    %swap3A_497 = vector.shape_cast %swap3A_496 : vector<16xi32> to vector<16xi32>
    %swap3A_498 = vector.shape_cast %add3A_494 : vector<16xi32> to vector<16xi32>
    tpu.vector_store %arg7[%swap3A_495], %swap3A_498 {strides = array<i32>} : memref<1024xi32, #tpu.memory_space<vmem>>, vector<16xi32>,
    %iota3A_499 = tpu.iota {dimensions = array<i32: 0>} : vector<16xi32>
    %add3A_500 = arith.constant 768 : i32
    %add3A_501 = arith.addi %select_n3A_32, %add3A_500 : i32
    %add3A_502 = vector.broadcast %add3A_501 : i32 to vector<16xi32>
    %add3A_503 = arith.addi %iota3A_499, %add3A_502 : vector<16xi32>
    %swap3A_504 = arith.constant 768 : index
    %swap3A_505 = tpu.vector_load %arg7[%swap3A_504] {strides = array<i32>} : memref<1024xi32, #tpu.memory_space<vmem>>, vector<16xi32>,
    %swap3A_506 = vector.shape_cast %swap3A_505 : vector<16xi32> to vector<16xi32>
    %swap3A_507 = vector.shape_cast %add3A_503 : vector<16xi32> to vector<16xi32>
    tpu.vector_store %arg7[%swap3A_504], %swap3A_507 {strides = array<i32>} : memref<1024xi32, #tpu.memory_space<vmem>>, vector<16xi32>,
    %iota3A_508 = tpu.iota {dimensions = array<i32: 0>} : vector<16xi32>
    %add3A_509 = arith.constant 784 : i32
    %add3A_510 = arith.addi %select_n3A_32, %add3A_509 : i32
    %add3A_511 = vector.broadcast %add3A_510 : i32 to vector<16xi32>
    %add3A_512 = arith.addi %iota3A_508, %add3A_511 : vector<16xi32>
    %swap3A_513 = arith.constant 784 : index
    %swap3A_514 = tpu.vector_load %arg7[%swap3A_513] {strides = array<i32>} : memref<1024xi32, #tpu.memory_space<vmem>>, vector<16xi32>,
    %swap3A_515 = vector.shape_cast %swap3A_514 : vector<16xi32> to vector<16xi32>
    %swap3A_516 = vector.shape_cast %add3A_512 : vector<16xi32> to vector<16xi32>
    tpu.vector_store %arg7[%swap3A_513], %swap3A_516 {strides = array<i32>} : memref<1024xi32, #tpu.memory_space<vmem>>, vector<16xi32>,
    %iota3A_517 = tpu.iota {dimensions = array<i32: 0>} : vector<16xi32>
    %add3A_518 = arith.constant 800 : i32
    %add3A_519 = arith.addi %select_n3A_32, %add3A_518 : i32
    %add3A_520 = vector.broadcast %add3A_519 : i32 to vector<16xi32>
    %add3A_521 = arith.addi %iota3A_517, %add3A_520 : vector<16xi32>
    %swap3A_522 = arith.constant 800 : index
    %swap3A_523 = tpu.vector_load %arg7[%swap3A_522] {strides = array<i32>} : memref<1024xi32, #tpu.memory_space<vmem>>, vector<16xi32>,
    %swap3A_524 = vector.shape_cast %swap3A_523 : vector<16xi32> to vector<16xi32>
    %swap3A_525 = vector.shape_cast %add3A_521 : vector<16xi32> to vector<16xi32>
    tpu.vector_store %arg7[%swap3A_522], %swap3A_525 {strides = array<i32>} : memref<1024xi32, #tpu.memory_space<vmem>>, vector<16xi32>,
    %iota3A_526 = tpu.iota {dimensions = array<i32: 0>} : vector<16xi32>
    %add3A_527 = arith.constant 816 : i32
    %add3A_528 = arith.addi %select_n3A_32, %add3A_527 : i32
    %add3A_529 = vector.broadcast %add3A_528 : i32 to vector<16xi32>
    %add3A_530 = arith.addi %iota3A_526, %add3A_529 : vector<16xi32>
    %swap3A_531 = arith.constant 816 : index
    %swap3A_532 = tpu.vector_load %arg7[%swap3A_531] {strides = array<i32>} : memref<1024xi32, #tpu.memory_space<vmem>>, vector<16xi32>,
    %swap3A_533 = vector.shape_cast %swap3A_532 : vector<16xi32> to vector<16xi32>
    %swap3A_534 = vector.shape_cast %add3A_530 : vector<16xi32> to vector<16xi32>
    tpu.vector_store %arg7[%swap3A_531], %swap3A_534 {strides = array<i32>} : memref<1024xi32, #tpu.memory_space<vmem>>, vector<16xi32>,
    %iota3A_535 = tpu.iota {dimensions = array<i32: 0>} : vector<16xi32>
    %add3A_536 = arith.constant 832 : i32
    %add3A_537 = arith.addi %select_n3A_32, %add3A_536 : i32
    %add3A_538 = vector.broadcast %add3A_537 : i32 to vector<16xi32>
    %add3A_539 = arith.addi %iota3A_535, %add3A_538 : vector<16xi32>
    %swap3A_540 = arith.constant 832 : index
    %swap3A_541 = tpu.vector_load %arg7[%swap3A_540] {strides = array<i32>} : memref<1024xi32, #tpu.memory_space<vmem>>, vector<16xi32>,
    %swap3A_542 = vector.shape_cast %swap3A_541 : vector<16xi32> to vector<16xi32>
    %swap3A_543 = vector.shape_cast %add3A_539 : vector<16xi32> to vector<16xi32>
    tpu.vector_store %arg7[%swap3A_540], %swap3A_543 {strides = array<i32>} : memref<1024xi32, #tpu.memory_space<vmem>>, vector<16xi32>,
    %iota3A_544 = tpu.iota {dimensions = array<i32: 0>} : vector<16xi32>
    %add3A_545 = arith.constant 848 : i32
    %add3A_546 = arith.addi %select_n3A_32, %add3A_545 : i32
    %add3A_547 = vector.broadcast %add3A_546 : i32 to vector<16xi32>
    %add3A_548 = arith.addi %iota3A_544, %add3A_547 : vector<16xi32>
    %swap3A_549 = arith.constant 848 : index
    %swap3A_550 = tpu.vector_load %arg7[%swap3A_549] {strides = array<i32>} : memref<1024xi32, #tpu.memory_space<vmem>>, vector<16xi32>,
    %swap3A_551 = vector.shape_cast %swap3A_550 : vector<16xi32> to vector<16xi32>
    %swap3A_552 = vector.shape_cast %add3A_548 : vector<16xi32> to vector<16xi32>
    tpu.vector_store %arg7[%swap3A_549], %swap3A_552 {strides = array<i32>} : memref<1024xi32, #tpu.memory_space<vmem>>, vector<16xi32>,
    %iota3A_553 = tpu.iota {dimensions = array<i32: 0>} : vector<16xi32>
    %add3A_554 = arith.constant 864 : i32
    %add3A_555 = arith.addi %select_n3A_32, %add3A_554 : i32
    %add3A_556 = vector.broadcast %add3A_555 : i32 to vector<16xi32>
    %add3A_557 = arith.addi %iota3A_553, %add3A_556 : vector<16xi32>
    %swap3A_558 = arith.constant 864 : index
    %swap3A_559 = tpu.vector_load %arg7[%swap3A_558] {strides = array<i32>} : memref<1024xi32, #tpu.memory_space<vmem>>, vector<16xi32>,
    %swap3A_560 = vector.shape_cast %swap3A_559 : vector<16xi32> to vector<16xi32>
    %swap3A_561 = vector.shape_cast %add3A_557 : vector<16xi32> to vector<16xi32>
    tpu.vector_store %arg7[%swap3A_558], %swap3A_561 {strides = array<i32>} : memref<1024xi32, #tpu.memory_space<vmem>>, vector<16xi32>,
    %iota3A_562 = tpu.iota {dimensions = array<i32: 0>} : vector<16xi32>
    %add3A_563 = arith.constant 880 : i32
    %add3A_564 = arith.addi %select_n3A_32, %add3A_563 : i32
    %add3A_565 = vector.broadcast %add3A_564 : i32 to vector<16xi32>
    %add3A_566 = arith.addi %iota3A_562, %add3A_565 : vector<16xi32>
    %swap3A_567 = arith.constant 880 : index
    %swap3A_568 = tpu.vector_load %arg7[%swap3A_567] {strides = array<i32>} : memref<1024xi32, #tpu.memory_space<vmem>>, vector<16xi32>,
    %swap3A_569 = vector.shape_cast %swap3A_568 : vector<16xi32> to vector<16xi32>
    %swap3A_570 = vector.shape_cast %add3A_566 : vector<16xi32> to vector<16xi32>
    tpu.vector_store %arg7[%swap3A_567], %swap3A_570 {strides = array<i32>} : memref<1024xi32, #tpu.memory_space<vmem>>, vector<16xi32>,
    %iota3A_571 = tpu.iota {dimensions = array<i32: 0>} : vector<16xi32>
    %add3A_572 = arith.constant 896 : i32
    %add3A_573 = arith.addi %select_n3A_32, %add3A_572 : i32
    %add3A_574 = vector.broadcast %add3A_573 : i32 to vector<16xi32>
    %add3A_575 = arith.addi %iota3A_571, %add3A_574 : vector<16xi32>
    %swap3A_576 = arith.constant 896 : index
    %swap3A_577 = tpu.vector_load %arg7[%swap3A_576] {strides = array<i32>} : memref<1024xi32, #tpu.memory_space<vmem>>, vector<16xi32>,
    %swap3A_578 = vector.shape_cast %swap3A_577 : vector<16xi32> to vector<16xi32>
    %swap3A_579 = vector.shape_cast %add3A_575 : vector<16xi32> to vector<16xi32>
    tpu.vector_store %arg7[%swap3A_576], %swap3A_579 {strides = array<i32>} : memref<1024xi32, #tpu.memory_space<vmem>>, vector<16xi32>,
    %iota3A_580 = tpu.iota {dimensions = array<i32: 0>} : vector<16xi32>
    %add3A_581 = arith.constant 912 : i32
    %add3A_582 = arith.addi %select_n3A_32, %add3A_581 : i32
    %add3A_583 = vector.broadcast %add3A_582 : i32 to vector<16xi32>
    %add3A_584 = arith.addi %iota3A_580, %add3A_583 : vector<16xi32>
    %swap3A_585 = arith.constant 912 : index
    %swap3A_586 = tpu.vector_load %arg7[%swap3A_585] {strides = array<i32>} : memref<1024xi32, #tpu.memory_space<vmem>>, vector<16xi32>,
    %swap3A_587 = vector.shape_cast %swap3A_586 : vector<16xi32> to vector<16xi32>
    %swap3A_588 = vector.shape_cast %add3A_584 : vector<16xi32> to vector<16xi32>
    tpu.vector_store %arg7[%swap3A_585], %swap3A_588 {strides = array<i32>} : memref<1024xi32, #tpu.memory_space<vmem>>, vector<16xi32>,
    %iota3A_589 = tpu.iota {dimensions = array<i32: 0>} : vector<16xi32>
    %add3A_590 = arith.constant 928 : i32
    %add3A_591 = arith.addi %select_n3A_32, %add3A_590 : i32
    %add3A_592 = vector.broadcast %add3A_591 : i32 to vector<16xi32>
    %add3A_593 = arith.addi %iota3A_589, %add3A_592 : vector<16xi32>
    %swap3A_594 = arith.constant 928 : index
    %swap3A_595 = tpu.vector_load %arg7[%swap3A_594] {strides = array<i32>} : memref<1024xi32, #tpu.memory_space<vmem>>, vector<16xi32>,
    %swap3A_596 = vector.shape_cast %swap3A_595 : vector<16xi32> to vector<16xi32>
    %swap3A_597 = vector.shape_cast %add3A_593 : vector<16xi32> to vector<16xi32>
    tpu.vector_store %arg7[%swap3A_594], %swap3A_597 {strides = array<i32>} : memref<1024xi32, #tpu.memory_space<vmem>>, vector<16xi32>,
    %iota3A_598 = tpu.iota {dimensions = array<i32: 0>} : vector<16xi32>
    %add3A_599 = arith.constant 944 : i32
    %add3A_600 = arith.addi %select_n3A_32, %add3A_599 : i32
    %add3A_601 = vector.broadcast %add3A_600 : i32 to vector<16xi32>
    %add3A_602 = arith.addi %iota3A_598, %add3A_601 : vector<16xi32>
    %swap3A_603 = arith.constant 944 : index
    %swap3A_604 = tpu.vector_load %arg7[%swap3A_603] {strides = array<i32>} : memref<1024xi32, #tpu.memory_space<vmem>>, vector<16xi32>,
    %swap3A_605 = vector.shape_cast %swap3A_604 : vector<16xi32> to vector<16xi32>
    %swap3A_606 = vector.shape_cast %add3A_602 : vector<16xi32> to vector<16xi32>
    tpu.vector_store %arg7[%swap3A_603], %swap3A_606 {strides = array<i32>} : memref<1024xi32, #tpu.memory_space<vmem>>, vector<16xi32>,
    %iota3A_607 = tpu.iota {dimensions = array<i32: 0>} : vector<16xi32>
    %add3A_608 = arith.constant 960 : i32
    %add3A_609 = arith.addi %select_n3A_32, %add3A_608 : i32
    %add3A_610 = vector.broadcast %add3A_609 : i32 to vector<16xi32>
    %add3A_611 = arith.addi %iota3A_607, %add3A_610 : vector<16xi32>
    %swap3A_612 = arith.constant 960 : index
    %swap3A_613 = tpu.vector_load %arg7[%swap3A_612] {strides = array<i32>} : memref<1024xi32, #tpu.memory_space<vmem>>, vector<16xi32>,
    %swap3A_614 = vector.shape_cast %swap3A_613 : vector<16xi32> to vector<16xi32>
    %swap3A_615 = vector.shape_cast %add3A_611 : vector<16xi32> to vector<16xi32>
    tpu.vector_store %arg7[%swap3A_612], %swap3A_615 {strides = array<i32>} : memref<1024xi32, #tpu.memory_space<vmem>>, vector<16xi32>,
    %iota3A_616 = tpu.iota {dimensions = array<i32: 0>} : vector<16xi32>
    %add3A_617 = arith.constant 976 : i32
    %add3A_618 = arith.addi %select_n3A_32, %add3A_617 : i32
    %add3A_619 = vector.broadcast %add3A_618 : i32 to vector<16xi32>
    %add3A_620 = arith.addi %iota3A_616, %add3A_619 : vector<16xi32>
    %swap3A_621 = arith.constant 976 : index
    %swap3A_622 = tpu.vector_load %arg7[%swap3A_621] {strides = array<i32>} : memref<1024xi32, #tpu.memory_space<vmem>>, vector<16xi32>,
    %swap3A_623 = vector.shape_cast %swap3A_622 : vector<16xi32> to vector<16xi32>
    %swap3A_624 = vector.shape_cast %add3A_620 : vector<16xi32> to vector<16xi32>
    tpu.vector_store %arg7[%swap3A_621], %swap3A_624 {strides = array<i32>} : memref<1024xi32, #tpu.memory_space<vmem>>, vector<16xi32>,
    %iota3A_625 = tpu.iota {dimensions = array<i32: 0>} : vector<16xi32>
    %add3A_626 = arith.constant 992 : i32
    %add3A_627 = arith.addi %select_n3A_32, %add3A_626 : i32
    %add3A_628 = vector.broadcast %add3A_627 : i32 to vector<16xi32>
    %add3A_629 = arith.addi %iota3A_625, %add3A_628 : vector<16xi32>
    %swap3A_630 = arith.constant 992 : index
    %swap3A_631 = tpu.vector_load %arg7[%swap3A_630] {strides = array<i32>} : memref<1024xi32, #tpu.memory_space<vmem>>, vector<16xi32>,
    %swap3A_632 = vector.shape_cast %swap3A_631 : vector<16xi32> to vector<16xi32>
    %swap3A_633 = vector.shape_cast %add3A_629 : vector<16xi32> to vector<16xi32>
    tpu.vector_store %arg7[%swap3A_630], %swap3A_633 {strides = array<i32>} : memref<1024xi32, #tpu.memory_space<vmem>>, vector<16xi32>,
    %iota3A_634 = tpu.iota {dimensions = array<i32: 0>} : vector<16xi32>
    %add3A_635 = arith.constant 1008 : i32
    %add3A_636 = arith.addi %select_n3A_32, %add3A_635 : i32
    %add3A_637 = vector.broadcast %add3A_636 : i32 to vector<16xi32>
    %add3A_638 = arith.addi %iota3A_634, %add3A_637 : vector<16xi32>
    %swap3A_639 = arith.constant 1008 : index
    %swap3A_640 = tpu.vector_load %arg7[%swap3A_639] {strides = array<i32>} : memref<1024xi32, #tpu.memory_space<vmem>>, vector<16xi32>,
    %swap3A_641 = vector.shape_cast %swap3A_640 : vector<16xi32> to vector<16xi32>
    %swap3A_642 = vector.shape_cast %add3A_638 : vector<16xi32> to vector<16xi32>
    tpu.vector_store %arg7[%swap3A_639], %swap3A_642 {strides = array<i32>} : memref<1024xi32, #tpu.memory_space<vmem>>, vector<16xi32>,
    "tpu.region"() ({
      %run_scoped3A = tpu.sem_alloc : memref<!tpu.dma_semaphore, #tpu.memory_space<semaphore_mem>>
      %dma_start3A_805 = tpu.memref_slice %arg5[%select_n3A, %select_n3A_32] : memref<4x8192xi32, #tpu.memory_space<hbm>> -> memref<1x1024xi32, #tpu.memory_space<hbm>>
      %dma_start3A_806 = tpu.memref_squeeze %dma_start3A_805 : memref<1x1024xi32, #tpu.memory_space<hbm>> -> memref<1024xi32, #tpu.memory_space<hbm>>
      %dma_start3A_807 = tpu.memref_slice %arg5[%select_n3A, %select_n3A_32] : memref<4x8192xi32, #tpu.memory_space<hbm>> -> memref<1x1024xi32, #tpu.memory_space<hbm>>
      %dma_start3A_808 = tpu.memref_squeeze %dma_start3A_807 : memref<1x1024xi32, #tpu.memory_space<hbm>> -> memref<1024xi32, #tpu.memory_space<hbm>>
      tpu.enqueue_dma source(%arg7 : memref<1024xi32, #tpu.memory_space<vmem>>) target(%dma_start3A_808 : memref<1024xi32, #tpu.memory_space<hbm>>) target_semaphore(%run_scoped3A : memref<!tpu.dma_semaphore, #tpu.memory_space<semaphore_mem>>)
      %dma_wait3A_809 = tpu.memref_slice %arg5[%select_n3A, %select_n3A_32] : memref<4x8192xi32, #tpu.memory_space<hbm>> -> memref<1x1024xi32, #tpu.memory_space<hbm>>
      %dma_wait3A_810 = tpu.memref_squeeze %dma_wait3A_809 : memref<1x1024xi32, #tpu.memory_space<hbm>> -> memref<1024xi32, #tpu.memory_space<hbm>>
      %dma_wait3A_811 = tpu.memref_slice %arg5[%select_n3A, %select_n3A_32] : memref<4x8192xi32, #tpu.memory_space<hbm>> -> memref<1x1024xi32, #tpu.memory_space<hbm>>
      %dma_wait3A_812 = tpu.memref_squeeze %dma_wait3A_811 : memref<1x1024xi32, #tpu.memory_space<hbm>> -> memref<1024xi32, #tpu.memory_space<hbm>>
      tpu.wait_dma2 semaphore(%run_scoped3A : memref<!tpu.dma_semaphore, #tpu.memory_space<semaphore_mem>>) src(%arg7 : memref<1024xi32, #tpu.memory_space<vmem>>) dst(%dma_wait3A_812 : memref<1024xi32, #tpu.memory_space<hbm>>)
      tpu.yield
    }) : () -> ()
    %dma_wait3A_643 = arith.constant 0 : i32
    %dma_wait3A_644 = tpu.memref_slice %arg6[%dma_wait3A_643] : memref<1024xi32, #tpu.memory_space<vmem>> -> memref<128xi32, #tpu.memory_space<vmem>>
    %dma_wait3A_645 = arith.constant 0 : i32
    %dma_wait3A_646 = arith.constant 0 : i32
    %dma_wait3A_647 = tpu.memref_slice %arg2[%dma_wait3A_645, %dma_wait3A_646] : memref<1000000x128xf32, #tpu.memory_space<hbm>> -> memref<1000000x128xf32, #tpu.memory_space<hbm>>
    tpu.wait_indirect_dma semaphore(%arg14 : memref<!tpu.dma_semaphore, #tpu.memory_space<semaphore_mem>>) src(%dma_wait3A_647 : memref<1000000x128xf32, #tpu.memory_space<hbm>>) dst(%arg8 : memref<128x128xf32, #tpu.memory_space<vmem>>)
    %add3A_648 = arith.constant 0 : i32
    %add3A_649 = arith.addi %select_n3A_32, %add3A_648 : i32
    %dma_start3A_650 = arith.constant 0 : i32
    %dma_start3A_651 = tpu.memref_slice %arg4[%select_n3A, %add3A_649, %dma_start3A_650] : memref<4x8192x128xf32, #tpu.memory_space<hbm>> -> memref<1x128x128xf32, #tpu.memory_space<hbm>>
    %dma_start3A_652 = tpu.memref_squeeze %dma_start3A_651 : memref<1x128x128xf32, #tpu.memory_space<hbm>> -> memref<128x128xf32, #tpu.memory_space<hbm>>
    %dma_start3A_653 = arith.constant 0 : i32
    %dma_start3A_654 = tpu.memref_slice %arg4[%select_n3A, %add3A_649, %dma_start3A_653] : memref<4x8192x128xf32, #tpu.memory_space<hbm>> -> memref<1x128x128xf32, #tpu.memory_space<hbm>>
    %dma_start3A_655 = tpu.memref_squeeze %dma_start3A_654 : memref<1x128x128xf32, #tpu.memory_space<hbm>> -> memref<128x128xf32, #tpu.memory_space<hbm>>
    tpu.enqueue_dma source(%arg8 : memref<128x128xf32, #tpu.memory_space<vmem>>) target(%dma_start3A_655 : memref<128x128xf32, #tpu.memory_space<hbm>>) target_semaphore(%arg20 : memref<!tpu.dma_semaphore, #tpu.memory_space<semaphore_mem>>)
    %dma_wait3A_656 = arith.constant 128 : i32
    %dma_wait3A_657 = tpu.memref_slice %arg6[%dma_wait3A_656] : memref<1024xi32, #tpu.memory_space<vmem>> -> memref<128xi32, #tpu.memory_space<vmem>>
    %dma_wait3A_658 = arith.constant 0 : i32
    %dma_wait3A_659 = arith.constant 0 : i32
    %dma_wait3A_660 = tpu.memref_slice %arg2[%dma_wait3A_658, %dma_wait3A_659] : memref<1000000x128xf32, #tpu.memory_space<hbm>> -> memref<1000000x128xf32, #tpu.memory_space<hbm>>
    tpu.wait_indirect_dma semaphore(%arg15 : memref<!tpu.dma_semaphore, #tpu.memory_space<semaphore_mem>>) src(%dma_wait3A_660 : memref<1000000x128xf32, #tpu.memory_space<hbm>>) dst(%arg9 : memref<128x128xf32, #tpu.memory_space<vmem>>)
    %add3A_661 = arith.constant 128 : i32
    %add3A_662 = arith.addi %select_n3A_32, %add3A_661 : i32
    %dma_start3A_663 = arith.constant 0 : i32
    %dma_start3A_664 = tpu.memref_slice %arg4[%select_n3A, %add3A_662, %dma_start3A_663] : memref<4x8192x128xf32, #tpu.memory_space<hbm>> -> memref<1x128x128xf32, #tpu.memory_space<hbm>>
    %dma_start3A_665 = tpu.memref_squeeze %dma_start3A_664 : memref<1x128x128xf32, #tpu.memory_space<hbm>> -> memref<128x128xf32, #tpu.memory_space<hbm>>
    %dma_start3A_666 = arith.constant 0 : i32
    %dma_start3A_667 = tpu.memref_slice %arg4[%select_n3A, %add3A_662, %dma_start3A_666] : memref<4x8192x128xf32, #tpu.memory_space<hbm>> -> memref<1x128x128xf32, #tpu.memory_space<hbm>>
    %dma_start3A_668 = tpu.memref_squeeze %dma_start3A_667 : memref<1x128x128xf32, #tpu.memory_space<hbm>> -> memref<128x128xf32, #tpu.memory_space<hbm>>
    tpu.enqueue_dma source(%arg9 : memref<128x128xf32, #tpu.memory_space<vmem>>) target(%dma_start3A_668 : memref<128x128xf32, #tpu.memory_space<hbm>>) target_semaphore(%arg21 : memref<!tpu.dma_semaphore, #tpu.memory_space<semaphore_mem>>)
    %dma_wait3A_669 = arith.constant 0 : i32
    %dma_wait3A_670 = tpu.memref_slice %arg4[%select_n3A, %add3A_649, %dma_wait3A_669] : memref<4x8192x128xf32, #tpu.memory_space<hbm>> -> memref<1x128x128xf32, #tpu.memory_space<hbm>>
    %dma_wait3A_671 = tpu.memref_squeeze %dma_wait3A_670 : memref<1x128x128xf32, #tpu.memory_space<hbm>> -> memref<128x128xf32, #tpu.memory_space<hbm>>
    %dma_wait3A_672 = arith.constant 0 : i32
    %dma_wait3A_673 = tpu.memref_slice %arg4[%select_n3A, %add3A_649, %dma_wait3A_672] : memref<4x8192x128xf32, #tpu.memory_space<hbm>> -> memref<1x128x128xf32, #tpu.memory_space<hbm>>
    %dma_wait3A_674 = tpu.memref_squeeze %dma_wait3A_673 : memref<1x128x128xf32, #tpu.memory_space<hbm>> -> memref<128x128xf32, #tpu.memory_space<hbm>>
    tpu.wait_dma2 semaphore(%arg20 : memref<!tpu.dma_semaphore, #tpu.memory_space<semaphore_mem>>) src(%arg8 : memref<128x128xf32, #tpu.memory_space<vmem>>) dst(%dma_wait3A_674 : memref<128x128xf32, #tpu.memory_space<hbm>>)
    %dma_start3A_675 = arith.constant 768 : i32
    %dma_start3A_676 = tpu.memref_slice %arg6[%dma_start3A_675] : memref<1024xi32, #tpu.memory_space<vmem>> -> memref<128xi32, #tpu.memory_space<vmem>>
    %dma_start3A_677 = arith.constant 0 : i32
    %dma_start3A_678 = arith.constant 0 : i32
    %dma_start3A_679 = tpu.memref_slice %arg2[%dma_start3A_677, %dma_start3A_678] : memref<1000000x128xf32, #tpu.memory_space<hbm>> -> memref<1000000x128xf32, #tpu.memory_space<hbm>>
    tpu.enqueue_indirect_dma source(%dma_start3A_679 : memref<1000000x128xf32, #tpu.memory_space<hbm>>) target(%arg8 : memref<128x128xf32, #tpu.memory_space<vmem>>) offsets(%dma_start3A_676 : memref<128xi32, #tpu.memory_space<vmem>>) semaphore(%arg14 : memref<!tpu.dma_semaphore, #tpu.memory_space<semaphore_mem>>)
    %dma_wait3A_680 = arith.constant 256 : i32
    %dma_wait3A_681 = tpu.memref_slice %arg6[%dma_wait3A_680] : memref<1024xi32, #tpu.memory_space<vmem>> -> memref<128xi32, #tpu.memory_space<vmem>>
    %dma_wait3A_682 = arith.constant 0 : i32
    %dma_wait3A_683 = arith.constant 0 : i32
    %dma_wait3A_684 = tpu.memref_slice %arg2[%dma_wait3A_682, %dma_wait3A_683] : memref<1000000x128xf32, #tpu.memory_space<hbm>> -> memref<1000000x128xf32, #tpu.memory_space<hbm>>
    tpu.wait_indirect_dma semaphore(%arg16 : memref<!tpu.dma_semaphore, #tpu.memory_space<semaphore_mem>>) src(%dma_wait3A_684 : memref<1000000x128xf32, #tpu.memory_space<hbm>>) dst(%arg10 : memref<128x128xf32, #tpu.memory_space<vmem>>)
    %add3A_685 = arith.constant 256 : i32
    %add3A_686 = arith.addi %select_n3A_32, %add3A_685 : i32
    %dma_start3A_687 = arith.constant 0 : i32
    %dma_start3A_688 = tpu.memref_slice %arg4[%select_n3A, %add3A_686, %dma_start3A_687] : memref<4x8192x128xf32, #tpu.memory_space<hbm>> -> memref<1x128x128xf32, #tpu.memory_space<hbm>>
    %dma_start3A_689 = tpu.memref_squeeze %dma_start3A_688 : memref<1x128x128xf32, #tpu.memory_space<hbm>> -> memref<128x128xf32, #tpu.memory_space<hbm>>
    %dma_start3A_690 = arith.constant 0 : i32
    %dma_start3A_691 = tpu.memref_slice %arg4[%select_n3A, %add3A_686, %dma_start3A_690] : memref<4x8192x128xf32, #tpu.memory_space<hbm>> -> memref<1x128x128xf32, #tpu.memory_space<hbm>>
    %dma_start3A_692 = tpu.memref_squeeze %dma_start3A_691 : memref<1x128x128xf32, #tpu.memory_space<hbm>> -> memref<128x128xf32, #tpu.memory_space<hbm>>
    tpu.enqueue_dma source(%arg10 : memref<128x128xf32, #tpu.memory_space<vmem>>) target(%dma_start3A_692 : memref<128x128xf32, #tpu.memory_space<hbm>>) target_semaphore(%arg22 : memref<!tpu.dma_semaphore, #tpu.memory_space<semaphore_mem>>)
    %dma_wait3A_693 = arith.constant 0 : i32
    %dma_wait3A_694 = tpu.memref_slice %arg4[%select_n3A, %add3A_662, %dma_wait3A_693] : memref<4x8192x128xf32, #tpu.memory_space<hbm>> -> memref<1x128x128xf32, #tpu.memory_space<hbm>>
    %dma_wait3A_695 = tpu.memref_squeeze %dma_wait3A_694 : memref<1x128x128xf32, #tpu.memory_space<hbm>> -> memref<128x128xf32, #tpu.memory_space<hbm>>
    %dma_wait3A_696 = arith.constant 0 : i32
    %dma_wait3A_697 = tpu.memref_slice %arg4[%select_n3A, %add3A_662, %dma_wait3A_696] : memref<4x8192x128xf32, #tpu.memory_space<hbm>> -> memref<1x128x128xf32, #tpu.memory_space<hbm>>
    %dma_wait3A_698 = tpu.memref_squeeze %dma_wait3A_697 : memref<1x128x128xf32, #tpu.memory_space<hbm>> -> memref<128x128xf32, #tpu.memory_space<hbm>>
    tpu.wait_dma2 semaphore(%arg21 : memref<!tpu.dma_semaphore, #tpu.memory_space<semaphore_mem>>) src(%arg9 : memref<128x128xf32, #tpu.memory_space<vmem>>) dst(%dma_wait3A_698 : memref<128x128xf32, #tpu.memory_space<hbm>>)
    %dma_start3A_699 = arith.constant 896 : i32
    %dma_start3A_700 = tpu.memref_slice %arg6[%dma_start3A_699] : memref<1024xi32, #tpu.memory_space<vmem>> -> memref<128xi32, #tpu.memory_space<vmem>>
    %dma_start3A_701 = arith.constant 0 : i32
    %dma_start3A_702 = arith.constant 0 : i32
    %dma_start3A_703 = tpu.memref_slice %arg2[%dma_start3A_701, %dma_start3A_702] : memref<1000000x128xf32, #tpu.memory_space<hbm>> -> memref<1000000x128xf32, #tpu.memory_space<hbm>>
    tpu.enqueue_indirect_dma source(%dma_start3A_703 : memref<1000000x128xf32, #tpu.memory_space<hbm>>) target(%arg9 : memref<128x128xf32, #tpu.memory_space<vmem>>) offsets(%dma_start3A_700 : memref<128xi32, #tpu.memory_space<vmem>>) semaphore(%arg15 : memref<!tpu.dma_semaphore, #tpu.memory_space<semaphore_mem>>)
    %dma_wait3A_704 = arith.constant 384 : i32
    %dma_wait3A_705 = tpu.memref_slice %arg6[%dma_wait3A_704] : memref<1024xi32, #tpu.memory_space<vmem>> -> memref<128xi32, #tpu.memory_space<vmem>>
    %dma_wait3A_706 = arith.constant 0 : i32
    %dma_wait3A_707 = arith.constant 0 : i32
    %dma_wait3A_708 = tpu.memref_slice %arg2[%dma_wait3A_706, %dma_wait3A_707] : memref<1000000x128xf32, #tpu.memory_space<hbm>> -> memref<1000000x128xf32, #tpu.memory_space<hbm>>
    tpu.wait_indirect_dma semaphore(%arg17 : memref<!tpu.dma_semaphore, #tpu.memory_space<semaphore_mem>>) src(%dma_wait3A_708 : memref<1000000x128xf32, #tpu.memory_space<hbm>>) dst(%arg11 : memref<128x128xf32, #tpu.memory_space<vmem>>)
    %add3A_709 = arith.constant 384 : i32
    %add3A_710 = arith.addi %select_n3A_32, %add3A_709 : i32
    %dma_start3A_711 = arith.constant 0 : i32
    %dma_start3A_712 = tpu.memref_slice %arg4[%select_n3A, %add3A_710, %dma_start3A_711] : memref<4x8192x128xf32, #tpu.memory_space<hbm>> -> memref<1x128x128xf32, #tpu.memory_space<hbm>>
    %dma_start3A_713 = tpu.memref_squeeze %dma_start3A_712 : memref<1x128x128xf32, #tpu.memory_space<hbm>> -> memref<128x128xf32, #tpu.memory_space<hbm>>
    %dma_start3A_714 = arith.constant 0 : i32
    %dma_start3A_715 = tpu.memref_slice %arg4[%select_n3A, %add3A_710, %dma_start3A_714] : memref<4x8192x128xf32, #tpu.memory_space<hbm>> -> memref<1x128x128xf32, #tpu.memory_space<hbm>>
    %dma_start3A_716 = tpu.memref_squeeze %dma_start3A_715 : memref<1x128x128xf32, #tpu.memory_space<hbm>> -> memref<128x128xf32, #tpu.memory_space<hbm>>
    tpu.enqueue_dma source(%arg11 : memref<128x128xf32, #tpu.memory_space<vmem>>) target(%dma_start3A_716 : memref<128x128xf32, #tpu.memory_space<hbm>>) target_semaphore(%arg23 : memref<!tpu.dma_semaphore, #tpu.memory_space<semaphore_mem>>)
    %dma_wait3A_717 = arith.constant 512 : i32
    %dma_wait3A_718 = tpu.memref_slice %arg6[%dma_wait3A_717] : memref<1024xi32, #tpu.memory_space<vmem>> -> memref<128xi32, #tpu.memory_space<vmem>>
    %dma_wait3A_719 = arith.constant 0 : i32
    %dma_wait3A_720 = arith.constant 0 : i32
    %dma_wait3A_721 = tpu.memref_slice %arg2[%dma_wait3A_719, %dma_wait3A_720] : memref<1000000x128xf32, #tpu.memory_space<hbm>> -> memref<1000000x128xf32, #tpu.memory_space<hbm>>
    tpu.wait_indirect_dma semaphore(%arg18 : memref<!tpu.dma_semaphore, #tpu.memory_space<semaphore_mem>>) src(%dma_wait3A_721 : memref<1000000x128xf32, #tpu.memory_space<hbm>>) dst(%arg12 : memref<128x128xf32, #tpu.memory_space<vmem>>)
    %add3A_722 = arith.constant 512 : i32
    %add3A_723 = arith.addi %select_n3A_32, %add3A_722 : i32
    %dma_start3A_724 = arith.constant 0 : i32
    %dma_start3A_725 = tpu.memref_slice %arg4[%select_n3A, %add3A_723, %dma_start3A_724] : memref<4x8192x128xf32, #tpu.memory_space<hbm>> -> memref<1x128x128xf32, #tpu.memory_space<hbm>>
    %dma_start3A_726 = tpu.memref_squeeze %dma_start3A_725 : memref<1x128x128xf32, #tpu.memory_space<hbm>> -> memref<128x128xf32, #tpu.memory_space<hbm>>
    %dma_start3A_727 = arith.constant 0 : i32
    %dma_start3A_728 = tpu.memref_slice %arg4[%select_n3A, %add3A_723, %dma_start3A_727] : memref<4x8192x128xf32, #tpu.memory_space<hbm>> -> memref<1x128x128xf32, #tpu.memory_space<hbm>>
    %dma_start3A_729 = tpu.memref_squeeze %dma_start3A_728 : memref<1x128x128xf32, #tpu.memory_space<hbm>> -> memref<128x128xf32, #tpu.memory_space<hbm>>
    tpu.enqueue_dma source(%arg12 : memref<128x128xf32, #tpu.memory_space<vmem>>) target(%dma_start3A_729 : memref<128x128xf32, #tpu.memory_space<hbm>>) target_semaphore(%arg24 : memref<!tpu.dma_semaphore, #tpu.memory_space<semaphore_mem>>)
    %dma_wait3A_730 = arith.constant 640 : i32
    %dma_wait3A_731 = tpu.memref_slice %arg6[%dma_wait3A_730] : memref<1024xi32, #tpu.memory_space<vmem>> -> memref<128xi32, #tpu.memory_space<vmem>>
    %dma_wait3A_732 = arith.constant 0 : i32
    %dma_wait3A_733 = arith.constant 0 : i32
    %dma_wait3A_734 = tpu.memref_slice %arg2[%dma_wait3A_732, %dma_wait3A_733] : memref<1000000x128xf32, #tpu.memory_space<hbm>> -> memref<1000000x128xf32, #tpu.memory_space<hbm>>
    tpu.wait_indirect_dma semaphore(%arg19 : memref<!tpu.dma_semaphore, #tpu.memory_space<semaphore_mem>>) src(%dma_wait3A_734 : memref<1000000x128xf32, #tpu.memory_space<hbm>>) dst(%arg13 : memref<128x128xf32, #tpu.memory_space<vmem>>)
    %add3A_735 = arith.constant 640 : i32
    %add3A_736 = arith.addi %select_n3A_32, %add3A_735 : i32
    %dma_start3A_737 = arith.constant 0 : i32
    %dma_start3A_738 = tpu.memref_slice %arg4[%select_n3A, %add3A_736, %dma_start3A_737] : memref<4x8192x128xf32, #tpu.memory_space<hbm>> -> memref<1x128x128xf32, #tpu.memory_space<hbm>>
    %dma_start3A_739 = tpu.memref_squeeze %dma_start3A_738 : memref<1x128x128xf32, #tpu.memory_space<hbm>> -> memref<128x128xf32, #tpu.memory_space<hbm>>
    %dma_start3A_740 = arith.constant 0 : i32
    %dma_start3A_741 = tpu.memref_slice %arg4[%select_n3A, %add3A_736, %dma_start3A_740] : memref<4x8192x128xf32, #tpu.memory_space<hbm>> -> memref<1x128x128xf32, #tpu.memory_space<hbm>>
    %dma_start3A_742 = tpu.memref_squeeze %dma_start3A_741 : memref<1x128x128xf32, #tpu.memory_space<hbm>> -> memref<128x128xf32, #tpu.memory_space<hbm>>
    tpu.enqueue_dma source(%arg13 : memref<128x128xf32, #tpu.memory_space<vmem>>) target(%dma_start3A_742 : memref<128x128xf32, #tpu.memory_space<hbm>>) target_semaphore(%arg25 : memref<!tpu.dma_semaphore, #tpu.memory_space<semaphore_mem>>)
    %dma_wait3A_743 = arith.constant 768 : i32
    %dma_wait3A_744 = tpu.memref_slice %arg6[%dma_wait3A_743] : memref<1024xi32, #tpu.memory_space<vmem>> -> memref<128xi32, #tpu.memory_space<vmem>>
    %dma_wait3A_745 = arith.constant 0 : i32
    %dma_wait3A_746 = arith.constant 0 : i32
    %dma_wait3A_747 = tpu.memref_slice %arg2[%dma_wait3A_745, %dma_wait3A_746] : memref<1000000x128xf32, #tpu.memory_space<hbm>> -> memref<1000000x128xf32, #tpu.memory_space<hbm>>
    tpu.wait_indirect_dma semaphore(%arg14 : memref<!tpu.dma_semaphore, #tpu.memory_space<semaphore_mem>>) src(%dma_wait3A_747 : memref<1000000x128xf32, #tpu.memory_space<hbm>>) dst(%arg8 : memref<128x128xf32, #tpu.memory_space<vmem>>)
    %add3A_748 = arith.constant 768 : i32
    %add3A_749 = arith.addi %select_n3A_32, %add3A_748 : i32
    %dma_start3A_750 = arith.constant 0 : i32
    %dma_start3A_751 = tpu.memref_slice %arg4[%select_n3A, %add3A_749, %dma_start3A_750] : memref<4x8192x128xf32, #tpu.memory_space<hbm>> -> memref<1x128x128xf32, #tpu.memory_space<hbm>>
    %dma_start3A_752 = tpu.memref_squeeze %dma_start3A_751 : memref<1x128x128xf32, #tpu.memory_space<hbm>> -> memref<128x128xf32, #tpu.memory_space<hbm>>
    %dma_start3A_753 = arith.constant 0 : i32
    %dma_start3A_754 = tpu.memref_slice %arg4[%select_n3A, %add3A_749, %dma_start3A_753] : memref<4x8192x128xf32, #tpu.memory_space<hbm>> -> memref<1x128x128xf32, #tpu.memory_space<hbm>>
    %dma_start3A_755 = tpu.memref_squeeze %dma_start3A_754 : memref<1x128x128xf32, #tpu.memory_space<hbm>> -> memref<128x128xf32, #tpu.memory_space<hbm>>
    tpu.enqueue_dma source(%arg8 : memref<128x128xf32, #tpu.memory_space<vmem>>) target(%dma_start3A_755 : memref<128x128xf32, #tpu.memory_space<hbm>>) target_semaphore(%arg20 : memref<!tpu.dma_semaphore, #tpu.memory_space<semaphore_mem>>)
    %dma_wait3A_756 = arith.constant 896 : i32
    %dma_wait3A_757 = tpu.memref_slice %arg6[%dma_wait3A_756] : memref<1024xi32, #tpu.memory_space<vmem>> -> memref<128xi32, #tpu.memory_space<vmem>>
    %dma_wait3A_758 = arith.constant 0 : i32
    %dma_wait3A_759 = arith.constant 0 : i32
    %dma_wait3A_760 = tpu.memref_slice %arg2[%dma_wait3A_758, %dma_wait3A_759] : memref<1000000x128xf32, #tpu.memory_space<hbm>> -> memref<1000000x128xf32, #tpu.memory_space<hbm>>
    tpu.wait_indirect_dma semaphore(%arg15 : memref<!tpu.dma_semaphore, #tpu.memory_space<semaphore_mem>>) src(%dma_wait3A_760 : memref<1000000x128xf32, #tpu.memory_space<hbm>>) dst(%arg9 : memref<128x128xf32, #tpu.memory_space<vmem>>)
    %add3A_761 = arith.constant 896 : i32
    %add3A_762 = arith.addi %select_n3A_32, %add3A_761 : i32
    %dma_start3A_763 = arith.constant 0 : i32
    %dma_start3A_764 = tpu.memref_slice %arg4[%select_n3A, %add3A_762, %dma_start3A_763] : memref<4x8192x128xf32, #tpu.memory_space<hbm>> -> memref<1x128x128xf32, #tpu.memory_space<hbm>>
    %dma_start3A_765 = tpu.memref_squeeze %dma_start3A_764 : memref<1x128x128xf32, #tpu.memory_space<hbm>> -> memref<128x128xf32, #tpu.memory_space<hbm>>
    %dma_start3A_766 = arith.constant 0 : i32
    %dma_start3A_767 = tpu.memref_slice %arg4[%select_n3A, %add3A_762, %dma_start3A_766] : memref<4x8192x128xf32, #tpu.memory_space<hbm>> -> memref<1x128x128xf32, #tpu.memory_space<hbm>>
    %dma_start3A_768 = tpu.memref_squeeze %dma_start3A_767 : memref<1x128x128xf32, #tpu.memory_space<hbm>> -> memref<128x128xf32, #tpu.memory_space<hbm>>
    tpu.enqueue_dma source(%arg9 : memref<128x128xf32, #tpu.memory_space<vmem>>) target(%dma_start3A_768 : memref<128x128xf32, #tpu.memory_space<hbm>>) target_semaphore(%arg21 : memref<!tpu.dma_semaphore, #tpu.memory_space<semaphore_mem>>)
    %dma_wait3A_769 = arith.constant 0 : i32
    %dma_wait3A_770 = tpu.memref_slice %arg4[%select_n3A, %add3A_686, %dma_wait3A_769] : memref<4x8192x128xf32, #tpu.memory_space<hbm>> -> memref<1x128x128xf32, #tpu.memory_space<hbm>>
    %dma_wait3A_771 = tpu.memref_squeeze %dma_wait3A_770 : memref<1x128x128xf32, #tpu.memory_space<hbm>> -> memref<128x128xf32, #tpu.memory_space<hbm>>
    %dma_wait3A_772 = arith.constant 0 : i32
    %dma_wait3A_773 = tpu.memref_slice %arg4[%select_n3A, %add3A_686, %dma_wait3A_772] : memref<4x8192x128xf32, #tpu.memory_space<hbm>> -> memref<1x128x128xf32, #tpu.memory_space<hbm>>
    %dma_wait3A_774 = tpu.memref_squeeze %dma_wait3A_773 : memref<1x128x128xf32, #tpu.memory_space<hbm>> -> memref<128x128xf32, #tpu.memory_space<hbm>>
    tpu.wait_dma2 semaphore(%arg22 : memref<!tpu.dma_semaphore, #tpu.memory_space<semaphore_mem>>) src(%arg10 : memref<128x128xf32, #tpu.memory_space<vmem>>) dst(%dma_wait3A_774 : memref<128x128xf32, #tpu.memory_space<hbm>>)
    %dma_wait3A_775 = arith.constant 0 : i32
    %dma_wait3A_776 = tpu.memref_slice %arg4[%select_n3A, %add3A_710, %dma_wait3A_775] : memref<4x8192x128xf32, #tpu.memory_space<hbm>> -> memref<1x128x128xf32, #tpu.memory_space<hbm>>
    %dma_wait3A_777 = tpu.memref_squeeze %dma_wait3A_776 : memref<1x128x128xf32, #tpu.memory_space<hbm>> -> memref<128x128xf32, #tpu.memory_space<hbm>>
    %dma_wait3A_778 = arith.constant 0 : i32
    %dma_wait3A_779 = tpu.memref_slice %arg4[%select_n3A, %add3A_710, %dma_wait3A_778] : memref<4x8192x128xf32, #tpu.memory_space<hbm>> -> memref<1x128x128xf32, #tpu.memory_space<hbm>>
    %dma_wait3A_780 = tpu.memref_squeeze %dma_wait3A_779 : memref<1x128x128xf32, #tpu.memory_space<hbm>> -> memref<128x128xf32, #tpu.memory_space<hbm>>
    tpu.wait_dma2 semaphore(%arg23 : memref<!tpu.dma_semaphore, #tpu.memory_space<semaphore_mem>>) src(%arg11 : memref<128x128xf32, #tpu.memory_space<vmem>>) dst(%dma_wait3A_780 : memref<128x128xf32, #tpu.memory_space<hbm>>)
    %dma_wait3A_781 = arith.constant 0 : i32
    %dma_wait3A_782 = tpu.memref_slice %arg4[%select_n3A, %add3A_723, %dma_wait3A_781] : memref<4x8192x128xf32, #tpu.memory_space<hbm>> -> memref<1x128x128xf32, #tpu.memory_space<hbm>>
    %dma_wait3A_783 = tpu.memref_squeeze %dma_wait3A_782 : memref<1x128x128xf32, #tpu.memory_space<hbm>> -> memref<128x128xf32, #tpu.memory_space<hbm>>
    %dma_wait3A_784 = arith.constant 0 : i32
    %dma_wait3A_785 = tpu.memref_slice %arg4[%select_n3A, %add3A_723, %dma_wait3A_784] : memref<4x8192x128xf32, #tpu.memory_space<hbm>> -> memref<1x128x128xf32, #tpu.memory_space<hbm>>
    %dma_wait3A_786 = tpu.memref_squeeze %dma_wait3A_785 : memref<1x128x128xf32, #tpu.memory_space<hbm>> -> memref<128x128xf32, #tpu.memory_space<hbm>>
    tpu.wait_dma2 semaphore(%arg24 : memref<!tpu.dma_semaphore, #tpu.memory_space<semaphore_mem>>) src(%arg12 : memref<128x128xf32, #tpu.memory_space<vmem>>) dst(%dma_wait3A_786 : memref<128x128xf32, #tpu.memory_space<hbm>>)
    %dma_wait3A_787 = arith.constant 0 : i32
    %dma_wait3A_788 = tpu.memref_slice %arg4[%select_n3A, %add3A_736, %dma_wait3A_787] : memref<4x8192x128xf32, #tpu.memory_space<hbm>> -> memref<1x128x128xf32, #tpu.memory_space<hbm>>
    %dma_wait3A_789 = tpu.memref_squeeze %dma_wait3A_788 : memref<1x128x128xf32, #tpu.memory_space<hbm>> -> memref<128x128xf32, #tpu.memory_space<hbm>>
    %dma_wait3A_790 = arith.constant 0 : i32
    %dma_wait3A_791 = tpu.memref_slice %arg4[%select_n3A, %add3A_736, %dma_wait3A_790] : memref<4x8192x128xf32, #tpu.memory_space<hbm>> -> memref<1x128x128xf32, #tpu.memory_space<hbm>>
    %dma_wait3A_792 = tpu.memref_squeeze %dma_wait3A_791 : memref<1x128x128xf32, #tpu.memory_space<hbm>> -> memref<128x128xf32, #tpu.memory_space<hbm>>
    tpu.wait_dma2 semaphore(%arg25 : memref<!tpu.dma_semaphore, #tpu.memory_space<semaphore_mem>>) src(%arg13 : memref<128x128xf32, #tpu.memory_space<vmem>>) dst(%dma_wait3A_792 : memref<128x128xf32, #tpu.memory_space<hbm>>)
    %dma_wait3A_793 = arith.constant 0 : i32
    %dma_wait3A_794 = tpu.memref_slice %arg4[%select_n3A, %add3A_749, %dma_wait3A_793] : memref<4x8192x128xf32, #tpu.memory_space<hbm>> -> memref<1x128x128xf32, #tpu.memory_space<hbm>>
    %dma_wait3A_795 = tpu.memref_squeeze %dma_wait3A_794 : memref<1x128x128xf32, #tpu.memory_space<hbm>> -> memref<128x128xf32, #tpu.memory_space<hbm>>
    %dma_wait3A_796 = arith.constant 0 : i32
    %dma_wait3A_797 = tpu.memref_slice %arg4[%select_n3A, %add3A_749, %dma_wait3A_796] : memref<4x8192x128xf32, #tpu.memory_space<hbm>> -> memref<1x128x128xf32, #tpu.memory_space<hbm>>
    %dma_wait3A_798 = tpu.memref_squeeze %dma_wait3A_797 : memref<1x128x128xf32, #tpu.memory_space<hbm>> -> memref<128x128xf32, #tpu.memory_space<hbm>>
    tpu.wait_dma2 semaphore(%arg20 : memref<!tpu.dma_semaphore, #tpu.memory_space<semaphore_mem>>) src(%arg8 : memref<128x128xf32, #tpu.memory_space<vmem>>) dst(%dma_wait3A_798 : memref<128x128xf32, #tpu.memory_space<hbm>>)
    %dma_wait3A_799 = arith.constant 0 : i32
    %dma_wait3A_800 = tpu.memref_slice %arg4[%select_n3A, %add3A_762, %dma_wait3A_799] : memref<4x8192x128xf32, #tpu.memory_space<hbm>> -> memref<1x128x128xf32, #tpu.memory_space<hbm>>
    %dma_wait3A_801 = tpu.memref_squeeze %dma_wait3A_800 : memref<1x128x128xf32, #tpu.memory_space<hbm>> -> memref<128x128xf32, #tpu.memory_space<hbm>>
    %dma_wait3A_802 = arith.constant 0 : i32
    %dma_wait3A_803 = tpu.memref_slice %arg4[%select_n3A, %add3A_762, %dma_wait3A_802] : memref<4x8192x128xf32, #tpu.memory_space<hbm>> -> memref<1x128x128xf32, #tpu.memory_space<hbm>>
    %dma_wait3A_804 = tpu.memref_squeeze %dma_wait3A_803 : memref<1x128x128xf32, #tpu.memory_space<hbm>> -> memref<128x128xf32, #tpu.memory_space<hbm>>
    tpu.wait_dma2 semaphore(%arg21 : memref<!tpu.dma_semaphore, #tpu.memory_space<semaphore_mem>>) src(%arg9 : memref<128x128xf32, #tpu.memory_space<vmem>>) dst(%dma_wait3A_804 : memref<128x128xf32, #tpu.memory_space<hbm>>)
    return
  }
}

</mosaic_0001>

<sc_bundles>
// kernel: kernel.3.cloned.1.call-start
scs
__scs_entry_jumppad:
0x0: {  	(pc) =	sbr.rel $0x88, $3  }
0x1: {  	(tag) =	ssettag $0x0;
	lr =	simm.s32 $0x1  }
0x2: {  	[smem:$0x3F9F] =	sst lr;
	_ =	strace $0xD0000000  }
0x3: {  	_ = 	snop  }
0x4: {  	_ = 	snop  }
0x5: {  	_ = 	snop  }
0x6: {  	_ = 	snop  }
0x7: {  	_ = 	snop  }
__scs_overlays_trampoline_lowered:
0x8: {  	[smem:$0x3FAE] =	sst s0  }
0x9: {  	[smem:$0x3FAF] =	sst s1  }
0xa: {  	[smem:$0x3FB0] =	sst s2  }
0xb: {  	[smem:$0x3FB1] =	sst s3  }
0xc: {  	[smem:$0x3FB2] =	sst s4  }
0xd: {  	[smem:$0x3FB3] =	sst s5  }
0xe: {  	[smem:$0x3FB4] =	sst s6  }
0xf: {  	[smem:$0x3FB5] =	sst s7  }
0x10: {  	[smem:$0x3FB6] =	sst s8  }
0x11: {  	[smem:$0x3FB7] =	sst s9;
	s0 =	simm.s32 @!p0 $0x0  }
0x12: {  	s1 =	sld [smem:$0x3F9D];
	s0 =	simm.s32 @p0 $0x1  }
0x13: {  	[smem:$0x3FB8] =	sst s0;
	s0 =	simm.s32 @!p1 $0x0  }
0x14: {  	s2 =	sld [smem:$0x3F9C];
	s0 =	simm.s32 @p1 $0x1  }
0x15: {  	[smem:$0x3FB9] =	sst s0;
	s0 =	simm.s32 @!p2 $0x0  }
0x16: {  	s3 =	sld [smem:$0x3FDB];
	s0 =	simm.s32 @p2 $0x1  }
0x17: {  	s4 =	simm.s32 $0x1BF5;
	[smem:$0x3FBB] =	sst s0  }
0x18: {  	s0 =	sld [smem:$0x3F9E];
	_ =	swait.ge [sflag:s4], $0x0  }
0x19: {  	s7 =	sld [smem:$0x3F9F]  }
0x1a: {  	s8 =	sadd.s32 $0xFFFFE003, lr  }
0x1b: {  	s9 =	sadd.s32 $0xFFFFFEF7, lr;
	s5 =	simm.s32 $0xFFFFFFFF;
	p2 =	slt.u32 s8, $0xFFFFF086  }
0x1c: {  	p1 =	slt.u32 s9, $0xF7A;
	s5 =	simm.s32 @!p2 $0x0  }
0x1d: {  	s5 =	simm.s32 @p1 $0x1;
	p0 =	seq.s32 s7, s2  }
0x1e: {  	s7 =	smul.u32 @!p0 $0xF7A, s2;
	p2 =	seq.s32 @!p0 s5, $0x0  }
0x1f: {  	s9 =	smul.u32 $0xF7A, s1;
	s8 =	simm.s32 @!p0 $0x1BF5;
	p2 =	por !p2, p0  }
0x20: {  	[sflag:s8] =	ssyncset.s32 @!p0 $0xFFFFF086;
	s6 =	sadd.s32 @!p0 s3, s7;
	s7 =	simm.s32 @!p0 $0x108  }
0x21: {  	s3 =	sadd.s32 s3, s9;
	s6 =	sadd.s32 @!p0 $0x88, s6;
	s7 =	simm.s32 @p2 $0x1082  }
0x22: {  	[simem:s7], [sflag:s8] =	dma.local @!p0 [hbm:s6], $0xF7A  }
0x23: {  	s9 =	sor.u32 $0xD0000000, s2;
	s6 =	simm.s32 $0x108;
	_ =	swait.ge @!p0 [sflag:s8], $0x0  }
0x24: {  	s3 =	sadd.s32 $0x88, s3;
	s6 =	simm.s32 @!p1 $0x1082;
	[sflag:s4] =	ssyncset.s32 $0xFFFFF086  }
0x25: {  	[simem:s6], [sflag:s4] =	dma.local [hbm:s3], $0xF7A  }
0x26: {  	[smem:$0x3F9F] =	sst s1;
	(tag) =	ssettag s2;
	_ =	strace s9  }
0x27: {  	s1 =	sld [smem:$0x3FAF]  }
0x28: {  	s2 =	sld [smem:$0x3FB0]  }
0x29: {  	s4 =	sld [smem:$0x3FB2]  }
0x2a: {  	p0 =	seq.s32 s5, $0x0;
	s5 =	sld [smem:$0x3FB3]  }
0x2b: {  	s6 =	sld [smem:$0x3FB4]  }
0x2c: {  	s7 =	sld [smem:$0x3FB5]  }
0x2d: {  	s3 =	simm.s32 $0x108;
	s8 =	sld [smem:$0x3FB6]  }
0x2e: {  	s3 =	simm.s32 @!p0 $0x1082;
	s9 =	sld [smem:$0x3FB7]  }
0x2f: {  	lr =	sadd.s32 s0, s3;
	s0 =	sld [smem:$0x3FAE]  }
0x30: {  	s3 =	sld [smem:$0x3FB1]  }
0x31: {  	[smem:$0x3FBA] =	sst s10  }
0x32: {  	s10 =	sld [smem:$0x3FB8];
	_ =	sdelay $0x3  }
0x33: {  	p0 =	seq.s32 s10, $0x1;
	s10 =	sld [smem:$0x3FBA];
	_ =	sdelay $0x3  }
0x34: {  	[smem:$0x3FBA] =	sst s10  }
0x35: {  	s10 =	sld [smem:$0x3FB9];
	_ =	sdelay $0x3  }
0x36: {  	p1 =	seq.s32 s10, $0x1;
	s10 =	sld [smem:$0x3FBA];
	_ =	sdelay $0x3  }
0x37: {  	[smem:$0x3FBA] =	sst s10  }
0x38: {  	s10 =	sld [smem:$0x3FBB]  }
0x39: {  	_ = 	snop;
	(pc) =	sbr.ind lr, $3  }
0x3a: {  	_ = 	snop  }
0x3b: {  	_ = 	snop  }
0x3c: {  	p2 =	seq.s32 s10, $0x1;
	s10 =	sld [smem:$0x3FBA]  }
0x3d: {  	_ =	shalt  }
0x3e: {  	_ =	shalt  }
0x3f: {  	_ =	shalt  }
0x40: {  	_ =	shalt  }
0x41: {  	_ =	shalt  }
0x42: {  	_ =	shalt  }
0x43: {  	_ =	shalt  }
0x44: {  	_ =	shalt  }
0x45: {  	_ =	shalt  }
0x46: {  	_ =	shalt  }
0x47: {  	_ =	shalt  }
0x48: {  	_ =	shalt  }
0x49: {  	_ =	shalt  }
0x4a: {  	_ =	shalt  }
0x4b: {  	_ =	shalt  }
0x4c: {  	_ =	shalt  }
0x4d: {  	_ =	shalt  }
0x4e: {  	_ =	shalt  }
0x4f: {  	_ =	shalt  }
0x50: {  	_ =	shalt  }
0x51: {  	_ =	shalt  }
0x52: {  	_ =	shalt  }
0x53: {  	_ =	shalt  }
0x54: {  	_ =	shalt  }
0x55: {  	_ =	shalt  }
0x56: {  	_ =	shalt  }
0x57: {  	_ =	shalt  }
0x58: {  	_ =	shalt  }
0x59: {  	_ =	shalt  }
0x5a: {  	_ =	shalt  }
0x5b: {  	_ =	shalt  }
0x5c: {  	_ =	shalt  }
0x5d: {  	_ =	shalt  }
0x5e: {  	_ =	shalt  }
0x5f: {  	_ =	shalt  }
0x60: {  	_ =	shalt  }
0x61: {  	_ =	shalt  }
0x62: {  	_ =	shalt  }
0x63: {  	_ =	shalt  }
0x64: {  	_ =	shalt  }
0x65: {  	_ =	shalt  }
0x66: {  	_ =	shalt  }
0x67: {  	_ =	shalt  }
0x68: {  	_ =	shalt  }
0x69: {  	_ =	shalt  }
0x6a: {  	_ =	shalt  }
0x6b: {  	_ =	shalt  }
0x6c: {  	_ =	shalt  }
0x6d: {  	_ =	shalt  }
0x6e: {  	_ =	shalt  }
0x6f: {  	_ =	shalt  }
0x70: {  	_ =	shalt  }
0x71: {  	_ =	shalt  }
0x72: {  	_ =	shalt  }
0x73: {  	_ =	shalt  }
0x74: {  	_ =	shalt  }
0x75: {  	_ =	shalt  }
0x76: {  	_ =	shalt  }
0x77: {  	_ =	shalt  }
0x78: {  	_ =	shalt  }
0x79: {  	_ =	shalt  }
0x7a: {  	_ =	shalt  }
0x7b: {  	_ =	shalt  }
0x7c: {  	_ =	shalt  }
0x7d: {  	_ =	shalt  }
0x7e: {  	_ =	shalt  }
0x7f: {  	_ =	shalt  }
0x80: {  	_ =	shalt  }
0x81: {  	_ =	shalt  }
0x82: {  	_ =	shalt  }
0x83: {  	_ =	shalt  }
0x84: {  	_ =	shalt  }
0x85: {  	_ =	shalt  }
0x86: {  	_ =	shalt  }
0x87: {  	_ =	shalt  }
.Lfunc_end0:
.L_simem_size_0:
called_computation_lowered:
.L_overlay_start_0:
0x88: {  	s2 =	sld [smem:$0x3FD9]  }
0x89: {  	s3 =	sld [smem:$0x3FFE];
	_ =	sdelay $0x1  }
0x8a: {  	s1 =	srdreg.scid  }
0x8b: {  	s0 =	sand.u32 $0x1, s1  }
0x8c: {  	s15 =	sshll.u32 s0, $0xA;
	s2 =	sadd.s32 s3, s2  }
0x8d: {  	s2 =	sadd.s32 s2, s15  }
0x8e: {  	[smem:$0x3FC6] =	sst s2  }
0x8f: {  	_ = 	snop  }
0x90: {  	s2 =	sld [smem:$0x3FD0];
	_ =	sdelay $0x1  }
0x91: {  	s16 =	sld [smem:$0x3FC9]  }
0x92: {  	s5 =	simm.s32 $0xA;
	s6 =	simm.s32 $0x10;
	s4 =	sld [smem:$0x3FC8]  }
0x93: {  	[smem:s6], [sflag:s5] =	dma.local [hbm:s2], $0x1  }
0x94: {  	_ =	swait.eq [sflag:s5], $0x1  }
0x95: {  	[sflag:s5] =	ssyncset.done $0x0  }
0x96: {  	s17 =	sld [smem:$0x10];
	[sflag:s5] =	ssyncadd.s32 $0xFFFFFFFF  }
0x97: {  	s18 =	sld [smem:$0x11];
	(tm) =	ssettm $0x1  }
0x98: {  	s19 =	sld [smem:$0x3FFB];
	_ =	sdelay $0x3  }
0x99: {  	_ =	strace s19  }
0x9a: {  	s6 =	sld [smem:$0x3FFC];
	_ =	sdelay $0x3  }
0x9b: {  	_ =	strace s6  }
0x9c: {  	s6 =	sld [smem:$0x3FFD];
	_ =	sdelay $0x3  }
0x9d: {  	_ =	strace s6  }
0x9e: {  	_ =	strace $0x8FFFFFFF  }
0x9f: {  	s20 =	sld [smem:$0x3FDB];
	_ =	sdelay $0x1  }
0xa0: {  	s7 =	simm.s32 $_scs_section_size  }
0xa1: {  	s8 =	simm.s32 $_size__tile_overlayer_lowered;
	s9 =	simm.s32 $_tile_overlayer_lowered  }
0xa2: {  	s23 =	simm.s32 $0x1BFF;
	s22 =	sshll.u32 s9, $0x1;
	s6 =	sadd.s32 s7, s20  }
0xa3: {  	s10 =	simm.s32 $0x0;
	s21 =	sshll.u32 s8, $0x1;
	s8 =	sadd.s32 s22, s6  }
0xa4: {  	[timem:s10], [sflag:s23] =	dma.local [hbm:s8], s21  }
0xa5: {  	_ =	swait.ge [sflag:s23], s21  }
0xa6: {  	s7 =	ssub.s32 $0x0, s21;
	[sflag:s23] =	ssyncset.done $0x0  }
0xa7: {  	[sflag:s23] =	ssyncadd.s32 s7;
	_ =	sdelay $0x1  }
0xa8: {  	s24 =	simm.s32 $0x1B8B  }
0xa9: {  	_ =	swait.ge [sflag:s24], $0x1  }
0xaa: {  	[sflag:s24] =	ssyncset.done $0x0  }
0xab: {  	s25 =	simm.s32 $0x1B8E;
	[sflag:s24] =	ssyncadd.s32 $0xFFFFFFFF  }
0xac: {  	s26 =	simm.s32 $execute0_lowered;
	[smem:$0x3FD2] =	sst s25  }
0xad: {  	s7 =	sshll.u32 s26, $0x1;
	_ =	strace $0x80000046;
	[dreg:$0x1] =	wrdreg $0xFFFFFFFF  }
0xae: {  	s28 =	simm.s32 $_size_execute0_lowered;
	s6 =	sadd.s32 s6, s7;
	[dreg:$0x0] =	wrdreg $0x0  }
0xaf: {  	s7 =	sshll.u32 s28, $0x1;
	[dreg:$0x2] =	wrdreg s6  }
0xb0: {  	[dreg:$0x3] =	wrdreg s7  }
0xb1: {  	[dreg:$0x4] =	wrdreg $0xC0  }
0xb2: {  	_ =	task [dreg:s10], $0x5FFFF  }
0xb3: {  	[dreg:$0x1] =	wrdreg $0xFFFFFFFF  }
0xb4: {  	[dreg:$0x0] =	wrdreg $0x60  }
0xb5: {  	[dreg:$0x2] =	wrdreg s4  }
0xb6: {  	[dreg:$0x3] =	wrdreg s16  }
0xb7: {  	[dreg:$0x4] =	wrdreg s17  }
0xb8: {  	[dreg:$0x5] =	wrdreg s18  }
0xb9: {  	[dreg:$0x6] =	wrdreg $0x9  }
0xba: {  	_ =	task.clear_ibuf [dreg:s10], $0x7FFFF;
	_ =	strace $0x90000046  }
0xbb: {  	s29 =	simm.s32 $0x9;
	_ =	strace $0x80000048  }
0xbc: {  	_ =	swait.ge [sflag:s29], $0x1  }
0xbd: {  	[sflag:s29] =	ssyncadd.s32 $0xFFFFFFFF  }
0xbe: {  	_ =	strace $0x90000048  }
0xbf: {  	_ =	sfence  }
0xc0: {  	s30 =	sld [smem:$0x0];
	_ =	sdelay $0x2  }
0xc1: {  	s31 =	sshll.u32 s1, $0xD;
	s1 =	sshrl.u32 s1, $0x2  }
0xc2: {  	s3 =	sand.u32 $0x4000, s31;
	s1 =	sadd.s32 s1, s30  }
0xc3: {  	s0 =	sor.u32 s3, s0;
	s1 =	sshll.u32 s1, $0x11  }
0xc4: {  	s0 =	sor.u32 s1, s0  }
0xc5: {  	s0 =	sadd.s32 $0x8F2B, s0  }
0xc6: {  	[sflag:s0] =	ssyncadd.remote.s32 $0x1  }
0xc7: {  	_ =	sfence.sel $0xFFFF  }
0xc8: {  	[dreg:$0x0] =	wrdreg $0xFFFFFFFF;
	(pc) =	sbr.abs _section_cstart, $3  }
0xc9: {  	[dreg:$0x1] =	wrdreg $0xFFFFFFFF  }
0xca: {  	_ =	task.clear_ibuf [dreg:s10], $0x2FFFF;
	_ =	strace $0x9FFFFFFF  }
0xcb: {  	(tm) =	ssettm $0x7FFFFFFF  }
tec
execute0_lowered:
.L_overlay_start_1:
0x0: {  	(tag) =	ssettag $0x1  }
0x1: {  	s1 =	rddreg [dreg:$0x0]  }
0x2: {  	s5 =	rddreg [dreg:$0x1]  }
0x3: {  	s2 =	srdreg.scid;
	s15 =	rddreg [dreg:$0x2]  }
0x4: {  	s0 =	stileid.u32;
	s21 =	rddreg [dreg:$0x3]  }
0x5: {  	s2 =	sand.u32 $0x1, s2;
	s3 =	sshll.u32 s0, $0xB;
	s20 =	sshrl.u32 s0, $0x2  }
0x6: {  	s4 =	sshll.u32 s2, $0xA;
	s3 =	sand.u32 $0x1800, s3;
	s7 =	sshll.u32 s20, $0x7  }
0x7: {  	s2 =	ssub.s32 $0x2, s2;
	s20 =	sshll.u32 s20, $0x14;
	s4 =	sor.u32 s4, s3  }
0x8: {  	s3 =	simm.s32 $0x0;
	s23 =	sshrl.u32 s2, $0x1;
	s6 =	sshll.u32 s4, $0x2  }
0x9: {  	[smem:$0x7FF] =	sst s3;
	s24 =	ssub.s32 s2, s23;
	s19 =	sor.u32 $0x10, s4  }
0xa: {  	s16 =	sor.u32 $0x20, s4;
	s17 =	sor.u32 $0x30, s4;
	s18 =	sor.u32 $0x40, s4  }
0xb: {  	s11 =	sor.u32 $0x50, s4;
	s12 =	sor.u32 $0x60, s4;
	s13 =	sor.u32 $0x70, s4  }
0xc: {  	s9 =	sor.u32 $0x80, s4;
	s10 =	sor.u32 $0x90, s4;
	s8 =	sor.u32 $0x280, s4  }
0xd: {  	s14 =	sor.u32 $0x300, s4;
	s23 =	sshll.u32 s4, $0x7;
	s0 =	sor.u32 $0x380, s4  }
0xe: {  	s28 =	sor.u32 $0x120, s4;
	s29 =	sor.u32 $0x130, s4;
	s30 =	sor.u32 $0x140, s4  }
0xf: {  	s31 =	sor.u32 $0x160, s4;
	s6 =	sor.u32 s7, s6;
	_ =	strace $0x80000047  }
0x10: {  	v63 =	vlaneseq.u32;
	[dreg:$0x10] =	wrdreg s24;
	s7 =	sor.u32 $0x100, s4;
	s25 =	sor.u32 s20, s23  }
0x11: {  	s24 =	sshll.u32 s9, $0x7;
	[dreg:$0x11] =	wrdreg s0;
	v2 =	vor.u32 s17, v63;
	s17 =	sor.u32 $0x1A0, s4  }
0x12: {  	v3 =	vor.u32 s18, v63;
	s18 =	sor.u32 $0x1B0, s4;
	v4 =	vor.u32 s11, v63;
	v5 =	vor.u32 s12, v63;
	s11 =	sor.u32 $0x1C0, s4;
	s12 =	sor.u32 $0x1D0, s4  }
0x13: {  	v6 =	vor.u32 s13, v63;
	s13 =	sor.u32 $0x1E0, s4;
	v7 =	vor.u32 s9, v63;
	v8 =	vor.u32 s10, v63;
	s9 =	sor.u32 $0x1F0, s4;
	s10 =	sor.u32 $0x210, s4  }
0x14: {  	v0 =	vor.u32 s19, v63;
	v17 =	vor.u32 s28, v63;
	v18 =	vor.u32 s29, v63;
	s28 =	sor.u32 $0x2B0, s4;
	s29 =	sor.u32 $0x2C0, s4;
	s19 =	sor.u32 $0x2D0, s4  }
0x15: {  	v1 =	vor.u32 s16, v63;
	v19 =	vor.u32 s30, v63;
	v21 =	vor.u32 s31, v63;
	s30 =	sor.u32 $0x2E0, s4;
	s31 =	sor.u32 $0x2F0, s4;
	s16 =	sor.u32 $0x350, s4  }
0x16: {  	s22 =	sshrl.u32 s6, $0x3;
	s6 =	sor.u32 $0x180, s4;
	s24 =	sor.u32 s20, s24  }
0x17: {  	v25 =	vor.u32 s17, v63;
	v27 =	vor.u32 s11, v63;
	s11 =	sor.u32 $0x340, s4;
	[dreg:$0x1a] =	wrdreg s16;
	s17 =	sor.u32 $0x360, s4  }
0x18: {  	v26 =	vor.u32 s18, v63;
	v28 =	vor.u32 s12, v63;
	v30 =	vor.u32 s9, v63;
	s18 =	sor.u32 $0x370, s4;
	s9 =	sor.u32 $0x390, s4;
	s12 =	sor.u32 $0x3B0, s4  }
0x19: {  	v29 =	vor.u32 s13, v63;
	s13 =	sor.u32 $0x3C0, s4;
	s16 =	sor.u32 $0x3D0, s4;
	[dreg:$0x19] =	wrdreg s11  }
0x1a: {  	v32 =	vor.u32 s10, v63;
	s10 =	simm.s32 $0x8800;
	v45 =	vor.u32 s19, v63;
	s19 =	simm.s32 $0x2;
	[dreg:$0x1b] =	wrdreg s17  }
0x1b: {  	v43 =	vor.u32 s28, v63;
	v44 =	vor.u32 s29, v63;
	s28 =	simm.s32 $0x6;
	s29 =	simm.s32 $0x9;
	[dreg:$0x1c] =	wrdreg s18  }
0x1c: {  	v46 =	vor.u32 s30, v63;
	v47 =	vor.u32 s31, v63;
	s30 =	simm.s32 $0xA;
	s31 =	simm.s32 $0xB;
	[dreg:$0x14] =	wrdreg s9  }
0x1d: {  	s5 =	sadd.s32 s5, s22;
	s21 =	sadd.s32 s21, s22;
	[dreg:$0x15] =	wrdreg s12  }
0x1e: {  	s22 =	sshrl.u32 s25, $0x3;
	s2 =	sshrl.u32 s24, $0x3;
	[dreg:$0x16] =	wrdreg s13  }
0x1f: {  	v15 =	vor.u32 s7, v63;
	s24 =	sshll.u32 s7, $0x7;
	s7 =	sor.u32 $0x260, s4;
	[dreg:$0x13] =	wrdreg s16  }
0x20: {  	s11 =	sor.u32 $0x3A0, s4;
	s17 =	sor.u32 $0x3E0, s4;
	s18 =	rddreg [dreg:$0x10]  }
0x21: {  	s9 =	simm.s32 $0x4800;
	s12 =	simm.s32 $0xC800;
	[dreg:$0x5] =	wrdreg s5  }
0x22: {  	s13 =	simm.s32 $0x10800;
	s16 =	simm.s32 $0x400;
	[dreg:$0x6] =	wrdreg s21  }
0x23: {  	s5 =	sor.u32 $0x200, s4;
	s26 =	sadd.s32 s15, s22;
	[dreg:$0x12] =	wrdreg s11  }
0x24: {  	s23 =	sadd.s32 s15, s2;
	s25 =	sor.u32 s20, s24;
	[dreg:$0x17] =	wrdreg s17  }
0x25: {  	v38 =	vor.u32 s7, v63;
	s7 =	simm.s32 $0xD;
	s11 =	simm.s32 $0x180;
	[dreg:$0x7] =	wrdreg s26  }
0x26: {  	s17 =	simm.s32 $0xE;
	[dreg:$0x8] =	wrdreg s23;
	s26 =	sshll.u32 s6, $0x7  }
0x27: {  	s21 =	sshrl.u32 s25, $0x3;
	s2 =	sshll.u32 s5, $0x7;
	s25 =	sshll.u32 s8, $0x7  }
0x28: {  	v40 =	vor.u32 s8, v63;
	v23 =	vor.u32 s6, v63;
	v31 =	vor.u32 s5, v63;
	s5 =	simm.s32 $0x80;
	s6 =	simm.s32 $0x200;
	s8 =	simm.s32 $0x800  }
0x29: {  	s22 =	sor.u32 s20, s26;
	s21 =	sadd.s32 s15, s21;
	s24 =	sor.u32 s20, s2  }
0x2a: {  	v48 =	vor.u32 s14, v63;
	s26 =	sor.u32 s20, s25;
	s2 =	sshll.u32 s14, $0x7;
	s14 =	simm.s32 $0x280  }
0x2b: {  	s22 =	sshrl.u32 s22, $0x3;
	[dreg:$0x9] =	wrdreg s21;
	s23 =	sshrl.u32 s24, $0x3  }
0x2c: {  	s21 =	sshrl.u32 s26, $0x3;
	s26 =	simm.s32 $0x100;
	s22 =	sadd.s32 s15, s22  }
0x2d: {  	s24 =	sadd.s32 s15, s23;
	s23 =	sshll.u32 s0, $0x7;
	[dreg:$0xf] =	wrdreg s26  }
0x2e: {  	s21 =	sadd.s32 s15, s21;
	s26 =	sor.u32 $0x110, s4;
	[dreg:$0xa] =	wrdreg s22  }
0x2f: {  	[dreg:$0xb] =	wrdreg s24;
	s22 =	sor.u32 s20, s2;
	s20 =	sor.u32 s20, s23  }
0x30: {  	[dreg:$0xc] =	wrdreg s21;
	s21 =	sor.u32 $0xC0, s4;
	v16 =	vor.u32 s26, v63;
	s26 =	sor.u32 $0x2A0, s4  }
0x31: {  	s23 =	sor.u32 $0x170, s4;
	v11 =	vor.u32 s21, v63;
	s21 =	sor.u32 $0x240, s4;
	v42 =	vor.u32 s26, v63;
	s26 =	rddreg [dreg:$0x12]  }
0x32: {  	s24 =	sor.u32 $0xD0, s4;
	v22 =	vor.u32 s23, v63;
	s23 =	sor.u32 $0x330, s4;
	v35 =	vor.u32 s21, v63;
	s21 =	rddreg [dreg:$0x1a]  }
0x33: {  	s2 =	sor.u32 $0x190, s4;
	v12 =	vor.u32 s24, v63;
	s24 =	sor.u32 $0x250, s4;
	v51 =	vor.u32 s23, v63;
	s23 =	rddreg [dreg:$0x1c]  }
0x34: {  	s0 =	sor.u32 $0x150, s4;
	v24 =	vor.u32 s2, v63;
	s2 =	sor.u32 $0x320, s4;
	v37 =	vor.u32 s24, v63;
	s24 =	rddreg [dreg:$0x11]  }
0x35: {  	v20 =	vor.u32 s0, v63;
	s0 =	sor.u32 $0x310, s4;
	s22 =	sshrl.u32 s22, $0x3;
	v50 =	vor.u32 s2, v63;
	s2 =	rddreg [dreg:$0x15]  }
0x36: {  	s20 =	sshrl.u32 s20, $0x3;
	s25 =	sadd.s32 s15, s22;
	v58 =	vor.u32 s26, v63;
	s26 =	rddreg [dreg:$0x16]  }
0x37: {  	s22 =	sor.u32 $0xA0, s4;
	s15 =	sadd.s32 s15, s20;
	[dreg:$0xd] =	wrdreg s25  }
0x38: {  	s20 =	sor.u32 $0xB0, s4;
	[dreg:$0xe] =	wrdreg s15;
	s15 =	sor.u32 $0xE0, s4  }
0x39: {  	s25 =	sor.u32 $0xF0, s4;
	v10 =	vor.u32 s20, v63;
	s20 =	sor.u32 $0x230, s4;
	v59 =	vor.u32 s2, v63;
	s2 =	rddreg [dreg:$0x13]  }
0x3a: {  	v9 =	vor.u32 s22, v63;
	s22 =	sor.u32 $0x220, s4;
	v53 =	vor.u32 s21, v63;
	s21 =	simm.s32 $0x300;
	v34 =	vor.u32 s20, v63;
	s20 =	rddreg [dreg:$0x19]  }
0x3b: {  	v55 =	vor.u32 s23, v63;
	s23 =	simm.s32 $0x8;
	v13 =	vor.u32 s15, v63;
	s15 =	sor.u32 $0x270, s4;
	v33 =	vor.u32 s22, v63;
	s22 =	rddreg [dreg:$0x1b]  }
0x3c: {  	v36 =	vor.u32 s4, v63;
	v14 =	vor.u32 s25, v63;
	s25 =	sor.u32 $0x290, s4;
	s4 =	sor.u32 $0x3F0, s4;
	v61 =	vor.u32 s2, v63;
	s2 =	rddreg [dreg:$0x17]  }
0x3d: {  	v56 =	vor.u32 s24, v63;
	s24 =	simm.s32 $0x380;
	v60 =	vor.u32 s26, v63;
	s26 =	simm.s32 $0x5;
	[dreg:$0x18] =	wrdreg s4  }
0x3e: {  	s4 =	smax.u32 s18, $0x1;
	v39 =	vor.u32 s15, v63;
	v41 =	vor.u32 s25, v63;
	s15 =	simm.s32 $0x14800;
	s25 =	rddreg [dreg:$0x14]  }
0x3f: {  	v49 =	vor.u32 s0, v63;
	s18 =	simm.s32 $0x1;
	v52 =	vor.u32 s20, v63;
	s20 =	simm.s32 $0x7;
	v62 =	vor.u32 s2, v63;
	s2 =	rddreg [dreg:$0x18]  }
0x40: {  	v54 =	vor.u32 s22, v63;
	s22 =	simm.s32 $0x3;
	v57 =	vor.u32 s25, v63;
	s25 =	simm.s32 $0x4;
	v63 =	vor.u32 s2, v63;
	s2 =	simm.s32 $0xC  }
.LBB2_1:
0x41: {  	s0 =	rddreg [dreg:$0x5]  }
0x42: {  	[tilespmem:s3], [sflag:$0xD] =	stream.strided.gather [hbm4b:s0+s5], $0x400, s6, s5, $0x38;
	[tilespmem:$0x18800] =	vst v63  }
0x43: {  	_ =	swait.ge [sflag:s7], $0x400  }
0x44: {  	[sflag:s7] =	ssyncset.done $0x0  }
0x45: {  	[sflag:s7] =	ssyncadd.s32 $0xFFFFFC00  }
0x46: {  	[tilespmem:s8], [sflag:$0x1] =	stream.indirect.gather [hbm4b:s1+s5], $0x80, s3, s5, $0xb8;
	[tilespmem:$0x18800] =	vst v63  }
0x47: {  	_ = 	snop  }
0x48: {  	[tilespmem:s9], [sflag:$0x2] =	stream.indirect.gather [hbm4b:s1+s5], $0x80, s5, s5, $0xb8;
	[tilespmem:$0x18800] =	vst v63  }
0x49: {  	s0 =	rddreg [dreg:$0xf]  }
0x4a: {  	[tilespmem:s10], [sflag:$0x3] =	stream.indirect.gather [hbm4b:s1+s5], $0x80, s0, s5, $0xb8;
	[tilespmem:$0x18800] =	vst v63  }
0x4b: {  	_ = 	snop  }
0x4c: {  	[tilespmem:s12], [sflag:$0x4] =	stream.indirect.gather [hbm4b:s1+s5], $0x80, s11, s5, $0xb8;
	[tilespmem:$0x18800] =	vst v63  }
0x4d: {  	_ = 	snop  }
0x4e: {  	[tilespmem:s13], [sflag:$0x5] =	stream.indirect.gather [hbm4b:s1+s5], $0x80, s6, s5, $0xb8;
	[tilespmem:$0x18800] =	vst v63  }
0x4f: {  	_ = 	snop  }
0x50: {  	[tilespmem:s15], [sflag:$0x6] =	stream.indirect.gather [hbm4b:s1+s5], $0x80, s14, s5, $0xb8;
	[tilespmem:$0x18800] =	vst v63  }
0x51: {  	[tilespmem:$0x400] =	vst v36  }
0x52: {  	[tilespmem:$0x410] =	vst v0  }
0x53: {  	[tilespmem:$0x420] =	vst v1  }
0x54: {  	[tilespmem:$0x430] =	vst v2  }
0x55: {  	[tilespmem:$0x440] =	vst v3  }
0x56: {  	[tilespmem:$0x450] =	vst v4  }
0x57: {  	[tilespmem:$0x460] =	vst v5  }
0x58: {  	[tilespmem:$0x470] =	vst v6  }
0x59: {  	[tilespmem:$0x480] =	vst v7  }
0x5a: {  	[tilespmem:$0x490] =	vst v8  }
0x5b: {  	[tilespmem:$0x4A0] =	vst v9  }
0x5c: {  	[tilespmem:$0x4B0] =	vst v10  }
0x5d: {  	[tilespmem:$0x4C0] =	vst v11  }
0x5e: {  	[tilespmem:$0x4D0] =	vst v12  }
0x5f: {  	[tilespmem:$0x4E0] =	vst v13  }
0x60: {  	[tilespmem:$0x4F0] =	vst v14  }
0x61: {  	[tilespmem:$0x500] =	vst v15  }
0x62: {  	[tilespmem:$0x510] =	vst v16  }
0x63: {  	[tilespmem:$0x520] =	vst v17  }
0x64: {  	[tilespmem:$0x530] =	vst v18  }
0x65: {  	[tilespmem:$0x540] =	vst v19  }
0x66: {  	[tilespmem:$0x550] =	vst v20  }
0x67: {  	[tilespmem:$0x560] =	vst v21  }
0x68: {  	[tilespmem:$0x570] =	vst v22  }
0x69: {  	[tilespmem:$0x580] =	vst v23  }
0x6a: {  	[tilespmem:$0x590] =	vst v24  }
0x6b: {  	[tilespmem:$0x5A0] =	vst v25  }
0x6c: {  	[tilespmem:$0x5B0] =	vst v26  }
0x6d: {  	[tilespmem:$0x5C0] =	vst v27  }
0x6e: {  	[tilespmem:$0x5D0] =	vst v28  }
0x6f: {  	[tilespmem:$0x5E0] =	vst v29  }
0x70: {  	[tilespmem:$0x5F0] =	vst v30  }
0x71: {  	[tilespmem:$0x600] =	vst v31  }
0x72: {  	[tilespmem:$0x610] =	vst v32  }
0x73: {  	[tilespmem:$0x620] =	vst v33  }
0x74: {  	[tilespmem:$0x630] =	vst v34  }
0x75: {  	[tilespmem:$0x640] =	vst v35  }
0x76: {  	[tilespmem:$0x650] =	vst v37  }
0x77: {  	[tilespmem:$0x660] =	vst v38  }
0x78: {  	[tilespmem:$0x670] =	vst v39  }
0x79: {  	[tilespmem:$0x680] =	vst v40  }
0x7a: {  	[tilespmem:$0x690] =	vst v41  }
0x7b: {  	[tilespmem:$0x6A0] =	vst v42  }
0x7c: {  	[tilespmem:$0x6B0] =	vst v43  }
0x7d: {  	[tilespmem:$0x6C0] =	vst v44  }
0x7e: {  	[tilespmem:$0x6D0] =	vst v45  }
0x7f: {  	[tilespmem:$0x6E0] =	vst v46  }
0x80: {  	[tilespmem:$0x6F0] =	vst v47  }
0x81: {  	[tilespmem:$0x700] =	vst v48  }
0x82: {  	[tilespmem:$0x710] =	vst v49  }
0x83: {  	[tilespmem:$0x720] =	vst v50  }
0x84: {  	[tilespmem:$0x730] =	vst v51  }
0x85: {  	[tilespmem:$0x740] =	vst v52  }
0x86: {  	[tilespmem:$0x750] =	vst v53  }
0x87: {  	[tilespmem:$0x760] =	vst v54  }
0x88: {  	[tilespmem:$0x770] =	vst v55  }
0x89: {  	[tilespmem:$0x780] =	vst v56  }
0x8a: {  	[tilespmem:$0x790] =	vst v57  }
0x8b: {  	[tilespmem:$0x7A0] =	vst v58  }
0x8c: {  	[tilespmem:$0x7B0] =	vst v59  }
0x8d: {  	[tilespmem:$0x7C0] =	vst v60  }
0x8e: {  	[tilespmem:$0x7D0] =	vst v61  }
0x8f: {  	[tilespmem:$0x7E0] =	vst v62  }
0x90: {  	s0 =	rddreg [dreg:$0x6];
	[tilespmem:$0x7F0] =	vst v63  }
0x91: {  	[hbm4b:s0+s5] =	stream.strided.scatter [tilespmem:s16], [sflag:$0xE], $0x400, s6, s5, $0x38;
	[tilespmem:$0x18800] =	vst v63  }
0x92: {  	_ =	swait.ge [sflag:s17], $0x400  }
0x93: {  	[sflag:s17] =	ssyncset.done $0x0  }
0x94: {  	[sflag:s17] =	ssyncadd.s32 $0xFFFFFC00  }
0x95: {  	_ =	swait.ge [sflag:s18], $0x4000  }
0x96: {  	[sflag:s18] =	ssyncset.done $0x0  }
0x97: {  	s0 =	rddreg [dreg:$0x7];
	[sflag:s18] =	ssyncadd.s32 $0xFFFFC000  }
0x98: {  	[hbm4b:s0+s3] =	stream.linear.scatter [tilespmem:s8], [sflag:$0x7], $0x4000, $0x38;
	[tilespmem:$0x18800] =	vst v63  }
0x99: {  	_ =	swait.ge [sflag:s19], $0x4000  }
0x9a: {  	[sflag:s19] =	ssyncset.done $0x0  }
0x9b: {  	s0 =	rddreg [dreg:$0x8];
	[sflag:s19] =	ssyncadd.s32 $0xFFFFC000  }
0x9c: {  	[hbm4b:s0+s3] =	stream.linear.scatter [tilespmem:s9], [sflag:$0x8], $0x4000, $0x38;
	[tilespmem:$0x18800] =	vst v63  }
0x9d: {  	_ =	swait.ge [sflag:s20], $0x4000  }
0x9e: {  	[sflag:s20] =	ssyncset.done $0x0  }
0x9f: {  	[sflag:s20] =	ssyncadd.s32 $0xFFFFC000  }
0xa0: {  	[tilespmem:s8], [sflag:$0x1] =	stream.indirect.gather [hbm4b:s1+s5], $0x80, s21, s5, $0xb8;
	[tilespmem:$0x18800] =	vst v63  }
0xa1: {  	_ =	swait.ge [sflag:s22], $0x4000  }
0xa2: {  	[sflag:s22] =	ssyncset.done $0x0  }
0xa3: {  	s0 =	rddreg [dreg:$0x9];
	[sflag:s22] =	ssyncadd.s32 $0xFFFFC000  }
0xa4: {  	[hbm4b:s0+s3] =	stream.linear.scatter [tilespmem:s10], [sflag:$0x9], $0x4000, $0x38;
	[tilespmem:$0x18800] =	vst v63  }
0xa5: {  	_ =	swait.ge [sflag:s23], $0x4000  }
0xa6: {  	[sflag:s23] =	ssyncset.done $0x0  }
0xa7: {  	[sflag:s23] =	ssyncadd.s32 $0xFFFFC000  }
0xa8: {  	[tilespmem:s9], [sflag:$0x2] =	stream.indirect.gather [hbm4b:s1+s5], $0x80, s24, s5, $0xb8;
	[tilespmem:$0x18800] =	vst v63  }
0xa9: {  	_ =	swait.ge [sflag:s25], $0x4000  }
0xaa: {  	[sflag:s25] =	ssyncset.done $0x0  }
0xab: {  	s0 =	rddreg [dreg:$0xa];
	[sflag:s25] =	ssyncadd.s32 $0xFFFFC000  }
0xac: {  	[hbm4b:s0+s3] =	stream.linear.scatter [tilespmem:s12], [sflag:$0xA], $0x4000, $0x38;
	[tilespmem:$0x18800] =	vst v63  }
0xad: {  	_ =	swait.ge [sflag:s26], $0x4000  }
0xae: {  	[sflag:s26] =	ssyncset.done $0x0  }
0xaf: {  	s0 =	rddreg [dreg:$0xb];
	[sflag:s26] =	ssyncadd.s32 $0xFFFFC000  }
0xb0: {  	[hbm4b:s0+s3] =	stream.linear.scatter [tilespmem:s13], [sflag:$0xB], $0x4000, $0x38;
	[tilespmem:$0x18800] =	vst v63  }
0xb1: {  	_ =	swait.ge [sflag:s28], $0x4000  }
0xb2: {  	[sflag:s28] =	ssyncset.done $0x0  }
0xb3: {  	s0 =	rddreg [dreg:$0xc];
	[sflag:s28] =	ssyncadd.s32 $0xFFFFC000  }
0xb4: {  	[hbm4b:s0+s3] =	stream.linear.scatter [tilespmem:s15], [sflag:$0xC], $0x4000, $0x38;
	[tilespmem:$0x18800] =	vst v63  }
0xb5: {  	_ =	swait.ge [sflag:s18], $0x4000  }
0xb6: {  	[sflag:s18] =	ssyncset.done $0x0  }
0xb7: {  	s0 =	rddreg [dreg:$0xd];
	[sflag:s18] =	ssyncadd.s32 $0xFFFFC000  }
0xb8: {  	[hbm4b:s0+s3] =	stream.linear.scatter [tilespmem:s8], [sflag:$0x7], $0x4000, $0x38;
	[tilespmem:$0x18800] =	vst v63  }
0xb9: {  	_ =	swait.ge [sflag:s19], $0x4000  }
0xba: {  	[sflag:s19] =	ssyncset.done $0x0  }
0xbb: {  	s0 =	rddreg [dreg:$0xe];
	[sflag:s19] =	ssyncadd.s32 $0xFFFFC000  }
0xbc: {  	[hbm4b:s0+s3] =	stream.linear.scatter [tilespmem:s9], [sflag:$0x8], $0x4000, $0x38;
	[tilespmem:$0x18800] =	vst v63  }
0xbd: {  	_ =	swait.ge [sflag:s29], $0x4000  }
0xbe: {  	[sflag:s29] =	ssyncset.done $0x0  }
0xbf: {  	[sflag:s29] =	ssyncadd.s32 $0xFFFFC000  }
0xc0: {  	_ =	swait.ge [sflag:s30], $0x4000  }
0xc1: {  	[sflag:s30] =	ssyncset.done $0x0  }
0xc2: {  	[sflag:s30] =	ssyncadd.s32 $0xFFFFC000  }
0xc3: {  	_ =	swait.ge [sflag:s31], $0x4000  }
0xc4: {  	[sflag:s31] =	ssyncset.done $0x0  }
0xc5: {  	[sflag:s31] =	ssyncadd.s32 $0xFFFFC000  }
0xc6: {  	_ =	swait.ge [sflag:s2], $0x4000  }
0xc7: {  	[sflag:s2] =	ssyncset.done $0x0  }
0xc8: {  	[sflag:s2] =	ssyncadd.s32 $0xFFFFC000  }
0xc9: {  	p0 =	sne.s32 s4, $0x1;
	_ =	swait.ge [sflag:s20], $0x4000  }
.Ltmp0:
0xca: {  	[sflag:s20] =	ssyncset.done $0x0;
	(pc) =	sbr.rel @p0 .LBB2_1-.Ltmp0, $4  }
0xcb: {  	[sflag:s20] =	ssyncadd.s32 $0xFFFFC000  }
0xcc: {  	_ =	swait.ge [sflag:s23], $0x4000  }
0xcd: {  	[sflag:s23] =	ssyncset.done $0x0  }
0xce: {  	s4 =	sadd.s32 $0xFFFFFFFF, s4;
	[sflag:s23] =	ssyncadd.s32 $0xFFFFC000  }
0xcf: {  	_ =	sfence.sel $0x180000  }
0xd0: {  	[bflag:$0x0] =	sbarrier.arrive $0xFFFF  }
0xd1: {  	_ =	strace $0x90000047  }
0xd2: {  	s0 =	stileid.u32;
	[bflag:$0x2] =	sbarrier.arrive $0xFFFF  }
0xd3: {  	p0 =	sne.s32 s0, $0x0;
	s0 =	rddreg [dreg:$0x4]  }
0xd4: {  	s0 =	sadd.s32 @!p0 $0x100000, s0  }
0xd5: {  	[sflag:s0] =	ssyncadd.tile.s32 @!p0 $0x1;
	_ =	shalt  }
.Lfunc_end2:
_tile_overlayer_lowered:
.L_overlay_start_2:
0xd6: {  	(tag) =	ssettag $0x2  }
0xd7: {  	s0 =	rddreg [dreg:$0x0];
	s2 =	stileid.u32  }
0xd8: {  	s1 =	rddreg [dreg:$0x1];
	p0 =	sne.s32 s2, $0x0  }
0xd9: {  	s3 =	rddreg [dreg:$0x2];
	[bflag:$0x3] =	sbarrier.arrive $0xFFFF;
	s2 =	simm.s32 @!p0 $0x1C0E  }
0xda: {  	[timem:s3], [sflag:s2] =	dma.local @!p0 [hbm:s0], s1  }
0xdb: {  	s0 =	simm.s32 @!p0 $0xE  }
0xdc: {  	_ =	swait.ge @!p0 [sflag:s0], s1  }
0xdd: {  	s1 =	ssub.s32 @!p0 $0x0, s1;
	[sflag:s0] =	ssyncset.done @!p0 $0x0  }
0xde: {  	[sflag:s0] =	ssyncadd.s32 @!p0 s1  }
0xdf: {  	[bflag:$0x3] =	sbarrier.arrive $0xFFFF  }
0xe0: {  	_ =	shalt  }

</sc_bundles>
